<compile_context>
chip_gen: v7x
topology: tpu7x:2x2x1
jax: 0.10.2.dev20260603
libtpu: 0.0.44.dev20260713+nightly
codegen_flags: <defaults>
</compile_context>

<pallas_src>
import jax
import jax.numpy as jnp
from jax import lax
from jax.experimental import pallas as pl
from jax.experimental.pallas import tpu as pltpu
from jax.experimental.pallas import tpu_sc as plsc

_D = 1024
_B = 8192
_NC = 2
_NS = 16
_NW = _NC * _NS
_BPW = _B // _NW
_SLOT = 16
_NBUF = 7
_RA = 5
_CHUNKS = [16] * 16
_OFFS = [sum(_CHUNKS[:i]) for i in range(len(_CHUNKS))]
_NCHUNK = len(_CHUNKS)


def _sc_gather(idx_hbm, table_hbm, out_hbm, idx_v, rows_v, *sems):
    s_in = sems[:_NBUF]
    s_out = sems[_NBUF:]
    wid = lax.axis_index("s") * _NC + lax.axis_index("c")
    base = wid * _BPW
    pltpu.sync_copy(idx_hbm.at[0, pl.ds(base, _BPW)], idx_v)

    gathers = [None] * _NBUF
    stores = [None] * _NBUF

    def gather(c):
        b = c % _NBUF
        gathers[b] = pltpu.async_copy(
            table_hbm.at[idx_v.at[pl.ds(_OFFS[c], _CHUNKS[c])]],
            rows_v.at[b, pl.ds(0, _CHUNKS[c])], s_in[b])

    for c in range(min(_RA, _NCHUNK)):
        gather(c)
    for c in range(_NCHUNK):
        b = c % _NBUF
        gathers[b].wait()
        stores[b] = pltpu.async_copy(
            rows_v.at[b, pl.ds(0, _CHUNKS[c])],
            out_hbm.at[pl.ds(base + _OFFS[c], _CHUNKS[c])], s_out[b])
        n = c + _RA
        if n < _NCHUNK:
            bn = n % _NBUF
            if stores[bn] is not None:
                stores[bn].wait()
            gather(n)
    for c in range(max(0, _NCHUNK - _NBUF), _NCHUNK):
        stores[c % _NBUF].wait()


@jax.jit
def _gather(idx, table):
    mesh = plsc.VectorSubcoreMesh(core_axis_name="c", subcore_axis_name="s")
    return pl.kernel(
        _sc_gather,
        mesh=mesh,
        out_type=jax.ShapeDtypeStruct((_B, _D), jnp.float32),
        scratch_types=[
            pltpu.VMEM((_BPW,), jnp.int32),
            pltpu.VMEM((_NBUF, _SLOT, _D), jnp.float32),
        ] + [pltpu.SemaphoreType.DMA] * (2 * _NBUF),
    )(idx, table)


def kernel(positions, P):
    out = _gather(positions.astype(jnp.int32), P[0])
    return out[None]

# --- scband reference (transcript-rebuilt; emitter-appended) ---
"""Pipeline reference for scband-explicit-positional-encoding-81389630259503 (READ-ONLY COPY).

The authoritative reference and input builder live on the scoring server;
editing this copy changes nothing except your own understanding.
"""

import jax, jax.numpy as jnp
import numpy as np

D_MODEL = 1024
MAX_LEN = 8192


def make_P(max_len, d_model):
    pos = jnp.arange(max_len, dtype=jnp.float32).reshape(-1, 1)
    div = jnp.power(10000.0, jnp.arange(0, d_model, 2, dtype=jnp.float32) / d_model)
    X = pos / div
    P = jnp.zeros((1, max_len, d_model), dtype=jnp.float32)
    P = P.at[:, :, 0::2].set(jnp.sin(X))
    P = P.at[:, :, 1::2].set(jnp.cos(X))
    return P


def setup_inputs(seed: int = 0) -> dict:
    key = jax.random.key(seed)
    k1, _ = jax.random.split(key)
    positions = jax.random.randint(k1, (4, 8192), 0, MAX_LEN, dtype=jnp.int64 if jax.config.jax_enable_x64 else jnp.int32)
    P = make_P(MAX_LEN, D_MODEL)
    return {"positions": positions, "P": P}


def reference(positions, P):
    # Faithful translation: gather rows of the sinusoidal table by positions[0, :].
    # Dropout with p=0.0 is identity.
    idx = positions[0, :]
    X = jnp.take(P, idx, axis=1)  # P[:, idx, :] -> [1, L, d_model]
    return X

if __name__ == "__main__":
    import jax
    _d = setup_inputs()
    print(jax.jit(kernel)(*tuple(_d.values())))

</pallas_src>

<mosaic_0001>
#map = affine_map<(d0, d1) -> (0, 0)>
module attributes {stable_mosaic.version = 14 : i64} {
  func.func @_sc_gather(%arg0: i32, %arg1: i32, %arg2: memref<4x8192xi32, #tpu.memory_space<hbm>>, %arg3: memref<8192x1024xf32, #tpu.memory_space<hbm>>, %arg4: memref<8192x1024xf32, #tpu.memory_space<hbm>>, %arg5: memref<256xi32, #tpu.memory_space<vmem>>, %arg6: memref<7x16x1024xf32, #tpu.memory_space<vmem>>, %arg7: memref<!tpu.dma_semaphore, #tpu.memory_space<semaphore_mem>>, %arg8: memref<!tpu.dma_semaphore, #tpu.memory_space<semaphore_mem>>, %arg9: memref<!tpu.dma_semaphore, #tpu.memory_space<semaphore_mem>>, %arg10: memref<!tpu.dma_semaphore, #tpu.memory_space<semaphore_mem>>, %arg11: memref<!tpu.dma_semaphore, #tpu.memory_space<semaphore_mem>>, %arg12: memref<!tpu.dma_semaphore, #tpu.memory_space<semaphore_mem>>, %arg13: memref<!tpu.dma_semaphore, #tpu.memory_space<semaphore_mem>>, %arg14: memref<!tpu.dma_semaphore, #tpu.memory_space<semaphore_mem>>, %arg15: memref<!tpu.dma_semaphore, #tpu.memory_space<semaphore_mem>>, %arg16: memref<!tpu.dma_semaphore, #tpu.memory_space<semaphore_mem>>, %arg17: memref<!tpu.dma_semaphore, #tpu.memory_space<semaphore_mem>>, %arg18: memref<!tpu.dma_semaphore, #tpu.memory_space<semaphore_mem>>, %arg19: memref<!tpu.dma_semaphore, #tpu.memory_space<semaphore_mem>>, %arg20: memref<!tpu.dma_semaphore, #tpu.memory_space<semaphore_mem>>) attributes {dimension_semantics = [#tpu.dimension_semantics<core_parallel>, #tpu.dimension_semantics<subcore_parallel>], iteration_bounds = array<i64: 2, 16>, scalar_prefetch = 0 : i64, scratch_operands = 16 : i64, tpu.core_type = #tpu.core_type<sc_vector_subcore>, window_params = [{transform_indices = #map}, {transform_indices = #map}, {transform_indices = #map}]} {
    %mul3A = arith.constant 2 : i32
    %mul3A_0 = arith.muli %arg1, %mul3A : i32
    %add3A = arith.addi %mul3A_0, %arg0 : i32
    %mul3A_1 = arith.constant 256 : i32
    %mul3A_2 = arith.muli %add3A, %mul3A_1 : i32
    %run_scoped3A = arith.constant 0 : i32
    "tpu.region"() ({
      %run_scoped3A_769 = tpu.sem_alloc : memref<!tpu.dma_semaphore, #tpu.memory_space<semaphore_mem>>
      %dma_start3A_770 = tpu.memref_slice %arg2[%run_scoped3A, %mul3A_2] : memref<4x8192xi32, #tpu.memory_space<hbm>> -> memref<1x256xi32, #tpu.memory_space<hbm>>
      %dma_start3A_771 = tpu.memref_squeeze %dma_start3A_770 : memref<1x256xi32, #tpu.memory_space<hbm>> -> memref<256xi32, #tpu.memory_space<hbm>>
      %dma_start3A_772 = tpu.memref_slice %arg2[%run_scoped3A, %mul3A_2] : memref<4x8192xi32, #tpu.memory_space<hbm>> -> memref<1x256xi32, #tpu.memory_space<hbm>>
      %dma_start3A_773 = tpu.memref_squeeze %dma_start3A_772 : memref<1x256xi32, #tpu.memory_space<hbm>> -> memref<256xi32, #tpu.memory_space<hbm>>
      tpu.enqueue_dma source(%dma_start3A_773 : memref<256xi32, #tpu.memory_space<hbm>>) target(%arg5 : memref<256xi32, #tpu.memory_space<vmem>>) target_semaphore(%run_scoped3A_769 : memref<!tpu.dma_semaphore, #tpu.memory_space<semaphore_mem>>)
      %dma_wait3A_774 = tpu.memref_slice %arg2[%run_scoped3A, %mul3A_2] : memref<4x8192xi32, #tpu.memory_space<hbm>> -> memref<1x256xi32, #tpu.memory_space<hbm>>
      %dma_wait3A_775 = tpu.memref_squeeze %dma_wait3A_774 : memref<1x256xi32, #tpu.memory_space<hbm>> -> memref<256xi32, #tpu.memory_space<hbm>>
      %dma_wait3A_776 = tpu.memref_slice %arg2[%run_scoped3A, %mul3A_2] : memref<4x8192xi32, #tpu.memory_space<hbm>> -> memref<1x256xi32, #tpu.memory_space<hbm>>
      %dma_wait3A_777 = tpu.memref_squeeze %dma_wait3A_776 : memref<1x256xi32, #tpu.memory_space<hbm>> -> memref<256xi32, #tpu.memory_space<hbm>>
      tpu.wait_dma2 semaphore(%run_scoped3A_769 : memref<!tpu.dma_semaphore, #tpu.memory_space<semaphore_mem>>) src(%dma_wait3A_777 : memref<256xi32, #tpu.memory_space<hbm>>) dst(%arg5 : memref<256xi32, #tpu.memory_space<vmem>>)
      tpu.yield
    }) : () -> ()
    %dma_start3A = arith.constant 0 : i32
    %dma_start3A_3 = arith.constant 0 : i32
    %dma_start3A_4 = arith.constant 0 : i32
    %dma_start3A_5 = tpu.memref_slice %arg6[%dma_start3A, %dma_start3A_3, %dma_start3A_4] : memref<7x16x1024xf32, #tpu.memory_space<vmem>> -> memref<1x16x1024xf32, #tpu.memory_space<vmem>>
    %dma_start3A_6 = tpu.memref_squeeze %dma_start3A_5 : memref<1x16x1024xf32, #tpu.memory_space<vmem>> -> memref<16x1024xf32, #tpu.memory_space<vmem>>
    %dma_start3A_7 = arith.constant 0 : i32
    %dma_start3A_8 = tpu.memref_slice %arg5[%dma_start3A_7] : memref<256xi32, #tpu.memory_space<vmem>> -> memref<16xi32, #tpu.memory_space<vmem>>
    %dma_start3A_9 = arith.constant 0 : i32
    %dma_start3A_10 = arith.constant 0 : i32
    %dma_start3A_11 = tpu.memref_slice %arg3[%dma_start3A_9, %dma_start3A_10] : memref<8192x1024xf32, #tpu.memory_space<hbm>> -> memref<8192x1024xf32, #tpu.memory_space<hbm>>
    tpu.enqueue_indirect_dma source(%dma_start3A_11 : memref<8192x1024xf32, #tpu.memory_space<hbm>>) target(%dma_start3A_6 : memref<16x1024xf32, #tpu.memory_space<vmem>>) offsets(%dma_start3A_8 : memref<16xi32, #tpu.memory_space<vmem>>) semaphore(%arg7 : memref<!tpu.dma_semaphore, #tpu.memory_space<semaphore_mem>>)
    %dma_start3A_12 = arith.constant 1 : i32
    %dma_start3A_13 = arith.constant 0 : i32
    %dma_start3A_14 = arith.constant 0 : i32
    %dma_start3A_15 = tpu.memref_slice %arg6[%dma_start3A_12, %dma_start3A_13, %dma_start3A_14] : memref<7x16x1024xf32, #tpu.memory_space<vmem>> -> memref<1x16x1024xf32, #tpu.memory_space<vmem>>
    %dma_start3A_16 = tpu.memref_squeeze %dma_start3A_15 : memref<1x16x1024xf32, #tpu.memory_space<vmem>> -> memref<16x1024xf32, #tpu.memory_space<vmem>>
    %dma_start3A_17 = arith.constant 16 : i32
    %dma_start3A_18 = tpu.memref_slice %arg5[%dma_start3A_17] : memref<256xi32, #tpu.memory_space<vmem>> -> memref<16xi32, #tpu.memory_space<vmem>>
    %dma_start3A_19 = arith.constant 0 : i32
    %dma_start3A_20 = arith.constant 0 : i32
    %dma_start3A_21 = tpu.memref_slice %arg3[%dma_start3A_19, %dma_start3A_20] : memref<8192x1024xf32, #tpu.memory_space<hbm>> -> memref<8192x1024xf32, #tpu.memory_space<hbm>>
    tpu.enqueue_indirect_dma source(%dma_start3A_21 : memref<8192x1024xf32, #tpu.memory_space<hbm>>) target(%dma_start3A_16 : memref<16x1024xf32, #tpu.memory_space<vmem>>) offsets(%dma_start3A_18 : memref<16xi32, #tpu.memory_space<vmem>>) semaphore(%arg8 : memref<!tpu.dma_semaphore, #tpu.memory_space<semaphore_mem>>)
    %dma_start3A_22 = arith.constant 2 : i32
    %dma_start3A_23 = arith.constant 0 : i32
    %dma_start3A_24 = arith.constant 0 : i32
    %dma_start3A_25 = tpu.memref_slice %arg6[%dma_start3A_22, %dma_start3A_23, %dma_start3A_24] : memref<7x16x1024xf32, #tpu.memory_space<vmem>> -> memref<1x16x1024xf32, #tpu.memory_space<vmem>>
    %dma_start3A_26 = tpu.memref_squeeze %dma_start3A_25 : memref<1x16x1024xf32, #tpu.memory_space<vmem>> -> memref<16x1024xf32, #tpu.memory_space<vmem>>
    %dma_start3A_27 = arith.constant 32 : i32
    %dma_start3A_28 = tpu.memref_slice %arg5[%dma_start3A_27] : memref<256xi32, #tpu.memory_space<vmem>> -> memref<16xi32, #tpu.memory_space<vmem>>
    %dma_start3A_29 = arith.constant 0 : i32
    %dma_start3A_30 = arith.constant 0 : i32
    %dma_start3A_31 = tpu.memref_slice %arg3[%dma_start3A_29, %dma_start3A_30] : memref<8192x1024xf32, #tpu.memory_space<hbm>> -> memref<8192x1024xf32, #tpu.memory_space<hbm>>
    tpu.enqueue_indirect_dma source(%dma_start3A_31 : memref<8192x1024xf32, #tpu.memory_space<hbm>>) target(%dma_start3A_26 : memref<16x1024xf32, #tpu.memory_space<vmem>>) offsets(%dma_start3A_28 : memref<16xi32, #tpu.memory_space<vmem>>) semaphore(%arg9 : memref<!tpu.dma_semaphore, #tpu.memory_space<semaphore_mem>>)
    %dma_start3A_32 = arith.constant 3 : i32
    %dma_start3A_33 = arith.constant 0 : i32
    %dma_start3A_34 = arith.constant 0 : i32
    %dma_start3A_35 = tpu.memref_slice %arg6[%dma_start3A_32, %dma_start3A_33, %dma_start3A_34] : memref<7x16x1024xf32, #tpu.memory_space<vmem>> -> memref<1x16x1024xf32, #tpu.memory_space<vmem>>
    %dma_start3A_36 = tpu.memref_squeeze %dma_start3A_35 : memref<1x16x1024xf32, #tpu.memory_space<vmem>> -> memref<16x1024xf32, #tpu.memory_space<vmem>>
    %dma_start3A_37 = arith.constant 48 : i32
    %dma_start3A_38 = tpu.memref_slice %arg5[%dma_start3A_37] : memref<256xi32, #tpu.memory_space<vmem>> -> memref<16xi32, #tpu.memory_space<vmem>>
    %dma_start3A_39 = arith.constant 0 : i32
    %dma_start3A_40 = arith.constant 0 : i32
    %dma_start3A_41 = tpu.memref_slice %arg3[%dma_start3A_39, %dma_start3A_40] : memref<8192x1024xf32, #tpu.memory_space<hbm>> -> memref<8192x1024xf32, #tpu.memory_space<hbm>>
    tpu.enqueue_indirect_dma source(%dma_start3A_41 : memref<8192x1024xf32, #tpu.memory_space<hbm>>) target(%dma_start3A_36 : memref<16x1024xf32, #tpu.memory_space<vmem>>) offsets(%dma_start3A_38 : memref<16xi32, #tpu.memory_space<vmem>>) semaphore(%arg10 : memref<!tpu.dma_semaphore, #tpu.memory_space<semaphore_mem>>)
    %dma_start3A_42 = arith.constant 4 : i32
    %dma_start3A_43 = arith.constant 0 : i32
    %dma_start3A_44 = arith.constant 0 : i32
    %dma_start3A_45 = tpu.memref_slice %arg6[%dma_start3A_42, %dma_start3A_43, %dma_start3A_44] : memref<7x16x1024xf32, #tpu.memory_space<vmem>> -> memref<1x16x1024xf32, #tpu.memory_space<vmem>>
    %dma_start3A_46 = tpu.memref_squeeze %dma_start3A_45 : memref<1x16x1024xf32, #tpu.memory_space<vmem>> -> memref<16x1024xf32, #tpu.memory_space<vmem>>
    %dma_start3A_47 = arith.constant 64 : i32
    %dma_start3A_48 = tpu.memref_slice %arg5[%dma_start3A_47] : memref<256xi32, #tpu.memory_space<vmem>> -> memref<16xi32, #tpu.memory_space<vmem>>
    %dma_start3A_49 = arith.constant 0 : i32
    %dma_start3A_50 = arith.constant 0 : i32
    %dma_start3A_51 = tpu.memref_slice %arg3[%dma_start3A_49, %dma_start3A_50] : memref<8192x1024xf32, #tpu.memory_space<hbm>> -> memref<8192x1024xf32, #tpu.memory_space<hbm>>
    tpu.enqueue_indirect_dma source(%dma_start3A_51 : memref<8192x1024xf32, #tpu.memory_space<hbm>>) target(%dma_start3A_46 : memref<16x1024xf32, #tpu.memory_space<vmem>>) offsets(%dma_start3A_48 : memref<16xi32, #tpu.memory_space<vmem>>) semaphore(%arg11 : memref<!tpu.dma_semaphore, #tpu.memory_space<semaphore_mem>>)
    %dma_wait3A = arith.constant 0 : i32
    %dma_wait3A_52 = arith.constant 0 : i32
    %dma_wait3A_53 = arith.constant 0 : i32
    %dma_wait3A_54 = tpu.memref_slice %arg6[%dma_wait3A, %dma_wait3A_52, %dma_wait3A_53] : memref<7x16x1024xf32, #tpu.memory_space<vmem>> -> memref<1x16x1024xf32, #tpu.memory_space<vmem>>
    %dma_wait3A_55 = tpu.memref_squeeze %dma_wait3A_54 : memref<1x16x1024xf32, #tpu.memory_space<vmem>> -> memref<16x1024xf32, #tpu.memory_space<vmem>>
    %dma_wait3A_56 = arith.constant 0 : i32
    %dma_wait3A_57 = tpu.memref_slice %arg5[%dma_wait3A_56] : memref<256xi32, #tpu.memory_space<vmem>> -> memref<16xi32, #tpu.memory_space<vmem>>
    %dma_wait3A_58 = arith.constant 0 : i32
    %dma_wait3A_59 = arith.constant 0 : i32
    %dma_wait3A_60 = tpu.memref_slice %arg3[%dma_wait3A_58, %dma_wait3A_59] : memref<8192x1024xf32, #tpu.memory_space<hbm>> -> memref<8192x1024xf32, #tpu.memory_space<hbm>>
    tpu.wait_indirect_dma semaphore(%arg7 : memref<!tpu.dma_semaphore, #tpu.memory_space<semaphore_mem>>) src(%dma_wait3A_60 : memref<8192x1024xf32, #tpu.memory_space<hbm>>) dst(%dma_wait3A_55 : memref<16x1024xf32, #tpu.memory_space<vmem>>)
    %add3A_61 = arith.constant 0 : i32
    %add3A_62 = arith.addi %mul3A_2, %add3A_61 : i32
    %dma_start3A_63 = arith.constant 0 : i32
    %dma_start3A_64 = arith.constant 0 : i32
    %dma_start3A_65 = arith.constant 0 : i32
    %dma_start3A_66 = tpu.memref_slice %arg6[%dma_start3A_63, %dma_start3A_64, %dma_start3A_65] : memref<7x16x1024xf32, #tpu.memory_space<vmem>> -> memref<1x16x1024xf32, #tpu.memory_space<vmem>>
    %dma_start3A_67 = tpu.memref_squeeze %dma_start3A_66 : memref<1x16x1024xf32, #tpu.memory_space<vmem>> -> memref<16x1024xf32, #tpu.memory_space<vmem>>
    %dma_start3A_68 = arith.constant 0 : i32
    %dma_start3A_69 = tpu.memref_slice %arg4[%add3A_62, %dma_start3A_68] : memref<8192x1024xf32, #tpu.memory_space<hbm>> -> memref<16x1024xf32, #tpu.memory_space<hbm>>
    %dma_start3A_70 = arith.constant 0 : i32
    %dma_start3A_71 = tpu.memref_slice %arg4[%add3A_62, %dma_start3A_70] : memref<8192x1024xf32, #tpu.memory_space<hbm>> -> memref<16x1024xf32, #tpu.memory_space<hbm>>
    %dma_start3A_72 = arith.constant 0 : i32
    %dma_start3A_73 = arith.constant 0 : i32
    %dma_start3A_74 = tpu.memref_slice %arg6[%dma_start3A_63, %dma_start3A_72, %dma_start3A_73] : memref<7x16x1024xf32, #tpu.memory_space<vmem>> -> memref<1x16x1024xf32, #tpu.memory_space<vmem>>
    %dma_start3A_75 = tpu.memref_squeeze %dma_start3A_74 : memref<1x16x1024xf32, #tpu.memory_space<vmem>> -> memref<16x1024xf32, #tpu.memory_space<vmem>>
    tpu.enqueue_dma source(%dma_start3A_75 : memref<16x1024xf32, #tpu.memory_space<vmem>>) target(%dma_start3A_71 : memref<16x1024xf32, #tpu.memory_space<hbm>>) target_semaphore(%arg14 : memref<!tpu.dma_semaphore, #tpu.memory_space<semaphore_mem>>)
    %dma_start3A_76 = arith.constant 5 : i32
    %dma_start3A_77 = arith.constant 0 : i32
    %dma_start3A_78 = arith.constant 0 : i32
    %dma_start3A_79 = tpu.memref_slice %arg6[%dma_start3A_76, %dma_start3A_77, %dma_start3A_78] : memref<7x16x1024xf32, #tpu.memory_space<vmem>> -> memref<1x16x1024xf32, #tpu.memory_space<vmem>>
    %dma_start3A_80 = tpu.memref_squeeze %dma_start3A_79 : memref<1x16x1024xf32, #tpu.memory_space<vmem>> -> memref<16x1024xf32, #tpu.memory_space<vmem>>
    %dma_start3A_81 = arith.constant 80 : i32
    %dma_start3A_82 = tpu.memref_slice %arg5[%dma_start3A_81] : memref<256xi32, #tpu.memory_space<vmem>> -> memref<16xi32, #tpu.memory_space<vmem>>
    %dma_start3A_83 = arith.constant 0 : i32
    %dma_start3A_84 = arith.constant 0 : i32
    %dma_start3A_85 = tpu.memref_slice %arg3[%dma_start3A_83, %dma_start3A_84] : memref<8192x1024xf32, #tpu.memory_space<hbm>> -> memref<8192x1024xf32, #tpu.memory_space<hbm>>
    tpu.enqueue_indirect_dma source(%dma_start3A_85 : memref<8192x1024xf32, #tpu.memory_space<hbm>>) target(%dma_start3A_80 : memref<16x1024xf32, #tpu.memory_space<vmem>>) offsets(%dma_start3A_82 : memref<16xi32, #tpu.memory_space<vmem>>) semaphore(%arg12 : memref<!tpu.dma_semaphore, #tpu.memory_space<semaphore_mem>>)
    %dma_wait3A_86 = arith.constant 1 : i32
    %dma_wait3A_87 = arith.constant 0 : i32
    %dma_wait3A_88 = arith.constant 0 : i32
    %dma_wait3A_89 = tpu.memref_slice %arg6[%dma_wait3A_86, %dma_wait3A_87, %dma_wait3A_88] : memref<7x16x1024xf32, #tpu.memory_space<vmem>> -> memref<1x16x1024xf32, #tpu.memory_space<vmem>>
    %dma_wait3A_90 = tpu.memref_squeeze %dma_wait3A_89 : memref<1x16x1024xf32, #tpu.memory_space<vmem>> -> memref<16x1024xf32, #tpu.memory_space<vmem>>
    %dma_wait3A_91 = arith.constant 16 : i32
    %dma_wait3A_92 = tpu.memref_slice %arg5[%dma_wait3A_91] : memref<256xi32, #tpu.memory_space<vmem>> -> memref<16xi32, #tpu.memory_space<vmem>>
    %dma_wait3A_93 = arith.constant 0 : i32
    %dma_wait3A_94 = arith.constant 0 : i32
    %dma_wait3A_95 = tpu.memref_slice %arg3[%dma_wait3A_93, %dma_wait3A_94] : memref<8192x1024xf32, #tpu.memory_space<hbm>> -> memref<8192x1024xf32, #tpu.memory_space<hbm>>
    tpu.wait_indirect_dma semaphore(%arg8 : memref<!tpu.dma_semaphore, #tpu.memory_space<semaphore_mem>>) src(%dma_wait3A_95 : memref<8192x1024xf32, #tpu.memory_space<hbm>>) dst(%dma_wait3A_90 : memref<16x1024xf32, #tpu.memory_space<vmem>>)
    %add3A_96 = arith.constant 16 : i32
    %add3A_97 = arith.addi %mul3A_2, %add3A_96 : i32
    %dma_start3A_98 = arith.constant 1 : i32
    %dma_start3A_99 = arith.constant 0 : i32
    %dma_start3A_100 = arith.constant 0 : i32
    %dma_start3A_101 = tpu.memref_slice %arg6[%dma_start3A_98, %dma_start3A_99, %dma_start3A_100] : memref<7x16x1024xf32, #tpu.memory_space<vmem>> -> memref<1x16x1024xf32, #tpu.memory_space<vmem>>
    %dma_start3A_102 = tpu.memref_squeeze %dma_start3A_101 : memref<1x16x1024xf32, #tpu.memory_space<vmem>> -> memref<16x1024xf32, #tpu.memory_space<vmem>>
    %dma_start3A_103 = arith.constant 0 : i32
    %dma_start3A_104 = tpu.memref_slice %arg4[%add3A_97, %dma_start3A_103] : memref<8192x1024xf32, #tpu.memory_space<hbm>> -> memref<16x1024xf32, #tpu.memory_space<hbm>>
    %dma_start3A_105 = arith.constant 0 : i32
    %dma_start3A_106 = tpu.memref_slice %arg4[%add3A_97, %dma_start3A_105] : memref<8192x1024xf32, #tpu.memory_space<hbm>> -> memref<16x1024xf32, #tpu.memory_space<hbm>>
    %dma_start3A_107 = arith.constant 0 : i32
    %dma_start3A_108 = arith.constant 0 : i32
    %dma_start3A_109 = tpu.memref_slice %arg6[%dma_start3A_98, %dma_start3A_107, %dma_start3A_108] : memref<7x16x1024xf32, #tpu.memory_space<vmem>> -> memref<1x16x1024xf32, #tpu.memory_space<vmem>>
    %dma_start3A_110 = tpu.memref_squeeze %dma_start3A_109 : memref<1x16x1024xf32, #tpu.memory_space<vmem>> -> memref<16x1024xf32, #tpu.memory_space<vmem>>
    tpu.enqueue_dma source(%dma_start3A_110 : memref<16x1024xf32, #tpu.memory_space<vmem>>) target(%dma_start3A_106 : memref<16x1024xf32, #tpu.memory_space<hbm>>) target_semaphore(%arg15 : memref<!tpu.dma_semaphore, #tpu.memory_space<semaphore_mem>>)
    %dma_start3A_111 = arith.constant 6 : i32
    %dma_start3A_112 = arith.constant 0 : i32
    %dma_start3A_113 = arith.constant 0 : i32
    %dma_start3A_114 = tpu.memref_slice %arg6[%dma_start3A_111, %dma_start3A_112, %dma_start3A_113] : memref<7x16x1024xf32, #tpu.memory_space<vmem>> -> memref<1x16x1024xf32, #tpu.memory_space<vmem>>
    %dma_start3A_115 = tpu.memref_squeeze %dma_start3A_114 : memref<1x16x1024xf32, #tpu.memory_space<vmem>> -> memref<16x1024xf32, #tpu.memory_space<vmem>>
    %dma_start3A_116 = arith.constant 96 : i32
    %dma_start3A_117 = tpu.memref_slice %arg5[%dma_start3A_116] : memref<256xi32, #tpu.memory_space<vmem>> -> memref<16xi32, #tpu.memory_space<vmem>>
    %dma_start3A_118 = arith.constant 0 : i32
    %dma_start3A_119 = arith.constant 0 : i32
    %dma_start3A_120 = tpu.memref_slice %arg3[%dma_start3A_118, %dma_start3A_119] : memref<8192x1024xf32, #tpu.memory_space<hbm>> -> memref<8192x1024xf32, #tpu.memory_space<hbm>>
    tpu.enqueue_indirect_dma source(%dma_start3A_120 : memref<8192x1024xf32, #tpu.memory_space<hbm>>) target(%dma_start3A_115 : memref<16x1024xf32, #tpu.memory_space<vmem>>) offsets(%dma_start3A_117 : memref<16xi32, #tpu.memory_space<vmem>>) semaphore(%arg13 : memref<!tpu.dma_semaphore, #tpu.memory_space<semaphore_mem>>)
    %dma_wait3A_121 = arith.constant 2 : i32
    %dma_wait3A_122 = arith.constant 0 : i32
    %dma_wait3A_123 = arith.constant 0 : i32
    %dma_wait3A_124 = tpu.memref_slice %arg6[%dma_wait3A_121, %dma_wait3A_122, %dma_wait3A_123] : memref<7x16x1024xf32, #tpu.memory_space<vmem>> -> memref<1x16x1024xf32, #tpu.memory_space<vmem>>
    %dma_wait3A_125 = tpu.memref_squeeze %dma_wait3A_124 : memref<1x16x1024xf32, #tpu.memory_space<vmem>> -> memref<16x1024xf32, #tpu.memory_space<vmem>>
    %dma_wait3A_126 = arith.constant 32 : i32
    %dma_wait3A_127 = tpu.memref_slice %arg5[%dma_wait3A_126] : memref<256xi32, #tpu.memory_space<vmem>> -> memref<16xi32, #tpu.memory_space<vmem>>
    %dma_wait3A_128 = arith.constant 0 : i32
    %dma_wait3A_129 = arith.constant 0 : i32
    %dma_wait3A_130 = tpu.memref_slice %arg3[%dma_wait3A_128, %dma_wait3A_129] : memref<8192x1024xf32, #tpu.memory_space<hbm>> -> memref<8192x1024xf32, #tpu.memory_space<hbm>>
    tpu.wait_indirect_dma semaphore(%arg9 : memref<!tpu.dma_semaphore, #tpu.memory_space<semaphore_mem>>) src(%dma_wait3A_130 : memref<8192x1024xf32, #tpu.memory_space<hbm>>) dst(%dma_wait3A_125 : memref<16x1024xf32, #tpu.memory_space<vmem>>)
    %add3A_131 = arith.constant 32 : i32
    %add3A_132 = arith.addi %mul3A_2, %add3A_131 : i32
    %dma_start3A_133 = arith.constant 2 : i32
    %dma_start3A_134 = arith.constant 0 : i32
    %dma_start3A_135 = arith.constant 0 : i32
    %dma_start3A_136 = tpu.memref_slice %arg6[%dma_start3A_133, %dma_start3A_134, %dma_start3A_135] : memref<7x16x1024xf32, #tpu.memory_space<vmem>> -> memref<1x16x1024xf32, #tpu.memory_space<vmem>>
    %dma_start3A_137 = tpu.memref_squeeze %dma_start3A_136 : memref<1x16x1024xf32, #tpu.memory_space<vmem>> -> memref<16x1024xf32, #tpu.memory_space<vmem>>
    %dma_start3A_138 = arith.constant 0 : i32
    %dma_start3A_139 = tpu.memref_slice %arg4[%add3A_132, %dma_start3A_138] : memref<8192x1024xf32, #tpu.memory_space<hbm>> -> memref<16x1024xf32, #tpu.memory_space<hbm>>
    %dma_start3A_140 = arith.constant 0 : i32
    %dma_start3A_141 = tpu.memref_slice %arg4[%add3A_132, %dma_start3A_140] : memref<8192x1024xf32, #tpu.memory_space<hbm>> -> memref<16x1024xf32, #tpu.memory_space<hbm>>
    %dma_start3A_142 = arith.constant 0 : i32
    %dma_start3A_143 = arith.constant 0 : i32
    %dma_start3A_144 = tpu.memref_slice %arg6[%dma_start3A_133, %dma_start3A_142, %dma_start3A_143] : memref<7x16x1024xf32, #tpu.memory_space<vmem>> -> memref<1x16x1024xf32, #tpu.memory_space<vmem>>
    %dma_start3A_145 = tpu.memref_squeeze %dma_start3A_144 : memref<1x16x1024xf32, #tpu.memory_space<vmem>> -> memref<16x1024xf32, #tpu.memory_space<vmem>>
    tpu.enqueue_dma source(%dma_start3A_145 : memref<16x1024xf32, #tpu.memory_space<vmem>>) target(%dma_start3A_141 : memref<16x1024xf32, #tpu.memory_space<hbm>>) target_semaphore(%arg16 : memref<!tpu.dma_semaphore, #tpu.memory_space<semaphore_mem>>)
    %dma_wait3A_146 = arith.constant 0 : i32
    %dma_wait3A_147 = arith.constant 0 : i32
    %dma_wait3A_148 = arith.constant 0 : i32
    %dma_wait3A_149 = tpu.memref_slice %arg6[%dma_wait3A_146, %dma_wait3A_147, %dma_wait3A_148] : memref<7x16x1024xf32, #tpu.memory_space<vmem>> -> memref<1x16x1024xf32, #tpu.memory_space<vmem>>
    %dma_wait3A_150 = tpu.memref_squeeze %dma_wait3A_149 : memref<1x16x1024xf32, #tpu.memory_space<vmem>> -> memref<16x1024xf32, #tpu.memory_space<vmem>>
    %dma_wait3A_151 = arith.constant 0 : i32
    %dma_wait3A_152 = tpu.memref_slice %arg4[%add3A_62, %dma_wait3A_151] : memref<8192x1024xf32, #tpu.memory_space<hbm>> -> memref<16x1024xf32, #tpu.memory_space<hbm>>
    %dma_wait3A_153 = arith.constant 0 : i32
    %dma_wait3A_154 = tpu.memref_slice %arg4[%add3A_62, %dma_wait3A_153] : memref<8192x1024xf32, #tpu.memory_space<hbm>> -> memref<16x1024xf32, #tpu.memory_space<hbm>>
    %dma_wait3A_155 = arith.constant 0 : i32
    %dma_wait3A_156 = arith.constant 0 : i32
    %dma_wait3A_157 = tpu.memref_slice %arg6[%dma_wait3A_146, %dma_wait3A_155, %dma_wait3A_156] : memref<7x16x1024xf32, #tpu.memory_space<vmem>> -> memref<1x16x1024xf32, #tpu.memory_space<vmem>>
    %dma_wait3A_158 = tpu.memref_squeeze %dma_wait3A_157 : memref<1x16x1024xf32, #tpu.memory_space<vmem>> -> memref<16x1024xf32, #tpu.memory_space<vmem>>
    tpu.wait_dma2 semaphore(%arg14 : memref<!tpu.dma_semaphore, #tpu.memory_space<semaphore_mem>>) src(%dma_wait3A_158 : memref<16x1024xf32, #tpu.memory_space<vmem>>) dst(%dma_wait3A_154 : memref<16x1024xf32, #tpu.memory_space<hbm>>)
    %dma_start3A_159 = arith.constant 0 : i32
    %dma_start3A_160 = arith.constant 0 : i32
    %dma_start3A_161 = arith.constant 0 : i32
    %dma_start3A_162 = tpu.memref_slice %arg6[%dma_start3A_159, %dma_start3A_160, %dma_start3A_161] : memref<7x16x1024xf32, #tpu.memory_space<vmem>> -> memref<1x16x1024xf32, #tpu.memory_space<vmem>>
    %dma_start3A_163 = tpu.memref_squeeze %dma_start3A_162 : memref<1x16x1024xf32, #tpu.memory_space<vmem>> -> memref<16x1024xf32, #tpu.memory_space<vmem>>
    %dma_start3A_164 = arith.constant 112 : i32
    %dma_start3A_165 = tpu.memref_slice %arg5[%dma_start3A_164] : memref<256xi32, #tpu.memory_space<vmem>> -> memref<16xi32, #tpu.memory_space<vmem>>
    %dma_start3A_166 = arith.constant 0 : i32
    %dma_start3A_167 = arith.constant 0 : i32
    %dma_start3A_168 = tpu.memref_slice %arg3[%dma_start3A_166, %dma_start3A_167] : memref<8192x1024xf32, #tpu.memory_space<hbm>> -> memref<8192x1024xf32, #tpu.memory_space<hbm>>
    tpu.enqueue_indirect_dma source(%dma_start3A_168 : memref<8192x1024xf32, #tpu.memory_space<hbm>>) target(%dma_start3A_163 : memref<16x1024xf32, #tpu.memory_space<vmem>>) offsets(%dma_start3A_165 : memref<16xi32, #tpu.memory_space<vmem>>) semaphore(%arg7 : memref<!tpu.dma_semaphore, #tpu.memory_space<semaphore_mem>>)
    %dma_wait3A_169 = arith.constant 3 : i32
    %dma_wait3A_170 = arith.constant 0 : i32
    %dma_wait3A_171 = arith.constant 0 : i32
    %dma_wait3A_172 = tpu.memref_slice %arg6[%dma_wait3A_169, %dma_wait3A_170, %dma_wait3A_171] : memref<7x16x1024xf32, #tpu.memory_space<vmem>> -> memref<1x16x1024xf32, #tpu.memory_space<vmem>>
    %dma_wait3A_173 = tpu.memref_squeeze %dma_wait3A_172 : memref<1x16x1024xf32, #tpu.memory_space<vmem>> -> memref<16x1024xf32, #tpu.memory_space<vmem>>
    %dma_wait3A_174 = arith.constant 48 : i32
    %dma_wait3A_175 = tpu.memref_slice %arg5[%dma_wait3A_174] : memref<256xi32, #tpu.memory_space<vmem>> -> memref<16xi32, #tpu.memory_space<vmem>>
    %dma_wait3A_176 = arith.constant 0 : i32
    %dma_wait3A_177 = arith.constant 0 : i32
    %dma_wait3A_178 = tpu.memref_slice %arg3[%dma_wait3A_176, %dma_wait3A_177] : memref<8192x1024xf32, #tpu.memory_space<hbm>> -> memref<8192x1024xf32, #tpu.memory_space<hbm>>
    tpu.wait_indirect_dma semaphore(%arg10 : memref<!tpu.dma_semaphore, #tpu.memory_space<semaphore_mem>>) src(%dma_wait3A_178 : memref<8192x1024xf32, #tpu.memory_space<hbm>>) dst(%dma_wait3A_173 : memref<16x1024xf32, #tpu.memory_space<vmem>>)
    %add3A_179 = arith.constant 48 : i32
    %add3A_180 = arith.addi %mul3A_2, %add3A_179 : i32
    %dma_start3A_181 = arith.constant 3 : i32
    %dma_start3A_182 = arith.constant 0 : i32
    %dma_start3A_183 = arith.constant 0 : i32
    %dma_start3A_184 = tpu.memref_slice %arg6[%dma_start3A_181, %dma_start3A_182, %dma_start3A_183] : memref<7x16x1024xf32, #tpu.memory_space<vmem>> -> memref<1x16x1024xf32, #tpu.memory_space<vmem>>
    %dma_start3A_185 = tpu.memref_squeeze %dma_start3A_184 : memref<1x16x1024xf32, #tpu.memory_space<vmem>> -> memref<16x1024xf32, #tpu.memory_space<vmem>>
    %dma_start3A_186 = arith.constant 0 : i32
    %dma_start3A_187 = tpu.memref_slice %arg4[%add3A_180, %dma_start3A_186] : memref<8192x1024xf32, #tpu.memory_space<hbm>> -> memref<16x1024xf32, #tpu.memory_space<hbm>>
    %dma_start3A_188 = arith.constant 0 : i32
    %dma_start3A_189 = tpu.memref_slice %arg4[%add3A_180, %dma_start3A_188] : memref<8192x1024xf32, #tpu.memory_space<hbm>> -> memref<16x1024xf32, #tpu.memory_space<hbm>>
    %dma_start3A_190 = arith.constant 0 : i32
    %dma_start3A_191 = arith.constant 0 : i32
    %dma_start3A_192 = tpu.memref_slice %arg6[%dma_start3A_181, %dma_start3A_190, %dma_start3A_191] : memref<7x16x1024xf32, #tpu.memory_space<vmem>> -> memref<1x16x1024xf32, #tpu.memory_space<vmem>>
    %dma_start3A_193 = tpu.memref_squeeze %dma_start3A_192 : memref<1x16x1024xf32, #tpu.memory_space<vmem>> -> memref<16x1024xf32, #tpu.memory_space<vmem>>
    tpu.enqueue_dma source(%dma_start3A_193 : memref<16x1024xf32, #tpu.memory_space<vmem>>) target(%dma_start3A_189 : memref<16x1024xf32, #tpu.memory_space<hbm>>) target_semaphore(%arg17 : memref<!tpu.dma_semaphore, #tpu.memory_space<semaphore_mem>>)
    %dma_wait3A_194 = arith.constant 1 : i32
    %dma_wait3A_195 = arith.constant 0 : i32
    %dma_wait3A_196 = arith.constant 0 : i32
    %dma_wait3A_197 = tpu.memref_slice %arg6[%dma_wait3A_194, %dma_wait3A_195, %dma_wait3A_196] : memref<7x16x1024xf32, #tpu.memory_space<vmem>> -> memref<1x16x1024xf32, #tpu.memory_space<vmem>>
    %dma_wait3A_198 = tpu.memref_squeeze %dma_wait3A_197 : memref<1x16x1024xf32, #tpu.memory_space<vmem>> -> memref<16x1024xf32, #tpu.memory_space<vmem>>
    %dma_wait3A_199 = arith.constant 0 : i32
    %dma_wait3A_200 = tpu.memref_slice %arg4[%add3A_97, %dma_wait3A_199] : memref<8192x1024xf32, #tpu.memory_space<hbm>> -> memref<16x1024xf32, #tpu.memory_space<hbm>>
    %dma_wait3A_201 = arith.constant 0 : i32
    %dma_wait3A_202 = tpu.memref_slice %arg4[%add3A_97, %dma_wait3A_201] : memref<8192x1024xf32, #tpu.memory_space<hbm>> -> memref<16x1024xf32, #tpu.memory_space<hbm>>
    %dma_wait3A_203 = arith.constant 0 : i32
    %dma_wait3A_204 = arith.constant 0 : i32
    %dma_wait3A_205 = tpu.memref_slice %arg6[%dma_wait3A_194, %dma_wait3A_203, %dma_wait3A_204] : memref<7x16x1024xf32, #tpu.memory_space<vmem>> -> memref<1x16x1024xf32, #tpu.memory_space<vmem>>
    %dma_wait3A_206 = tpu.memref_squeeze %dma_wait3A_205 : memref<1x16x1024xf32, #tpu.memory_space<vmem>> -> memref<16x1024xf32, #tpu.memory_space<vmem>>
    tpu.wait_dma2 semaphore(%arg15 : memref<!tpu.dma_semaphore, #tpu.memory_space<semaphore_mem>>) src(%dma_wait3A_206 : memref<16x1024xf32, #tpu.memory_space<vmem>>) dst(%dma_wait3A_202 : memref<16x1024xf32, #tpu.memory_space<hbm>>)
    %dma_start3A_207 = arith.constant 1 : i32
    %dma_start3A_208 = arith.constant 0 : i32
    %dma_start3A_209 = arith.constant 0 : i32
    %dma_start3A_210 = tpu.memref_slice %arg6[%dma_start3A_207, %dma_start3A_208, %dma_start3A_209] : memref<7x16x1024xf32, #tpu.memory_space<vmem>> -> memref<1x16x1024xf32, #tpu.memory_space<vmem>>
    %dma_start3A_211 = tpu.memref_squeeze %dma_start3A_210 : memref<1x16x1024xf32, #tpu.memory_space<vmem>> -> memref<16x1024xf32, #tpu.memory_space<vmem>>
    %dma_start3A_212 = arith.constant 128 : i32
    %dma_start3A_213 = tpu.memref_slice %arg5[%dma_start3A_212] : memref<256xi32, #tpu.memory_space<vmem>> -> memref<16xi32, #tpu.memory_space<vmem>>
    %dma_start3A_214 = arith.constant 0 : i32
    %dma_start3A_215 = arith.constant 0 : i32
    %dma_start3A_216 = tpu.memref_slice %arg3[%dma_start3A_214, %dma_start3A_215] : memref<8192x1024xf32, #tpu.memory_space<hbm>> -> memref<8192x1024xf32, #tpu.memory_space<hbm>>
    tpu.enqueue_indirect_dma source(%dma_start3A_216 : memref<8192x1024xf32, #tpu.memory_space<hbm>>) target(%dma_start3A_211 : memref<16x1024xf32, #tpu.memory_space<vmem>>) offsets(%dma_start3A_213 : memref<16xi32, #tpu.memory_space<vmem>>) semaphore(%arg8 : memref<!tpu.dma_semaphore, #tpu.memory_space<semaphore_mem>>)
    %dma_wait3A_217 = arith.constant 4 : i32
    %dma_wait3A_218 = arith.constant 0 : i32
    %dma_wait3A_219 = arith.constant 0 : i32
    %dma_wait3A_220 = tpu.memref_slice %arg6[%dma_wait3A_217, %dma_wait3A_218, %dma_wait3A_219] : memref<7x16x1024xf32, #tpu.memory_space<vmem>> -> memref<1x16x1024xf32, #tpu.memory_space<vmem>>
    %dma_wait3A_221 = tpu.memref_squeeze %dma_wait3A_220 : memref<1x16x1024xf32, #tpu.memory_space<vmem>> -> memref<16x1024xf32, #tpu.memory_space<vmem>>
    %dma_wait3A_222 = arith.constant 64 : i32
    %dma_wait3A_223 = tpu.memref_slice %arg5[%dma_wait3A_222] : memref<256xi32, #tpu.memory_space<vmem>> -> memref<16xi32, #tpu.memory_space<vmem>>
    %dma_wait3A_224 = arith.constant 0 : i32
    %dma_wait3A_225 = arith.constant 0 : i32
    %dma_wait3A_226 = tpu.memref_slice %arg3[%dma_wait3A_224, %dma_wait3A_225] : memref<8192x1024xf32, #tpu.memory_space<hbm>> -> memref<8192x1024xf32, #tpu.memory_space<hbm>>
    tpu.wait_indirect_dma semaphore(%arg11 : memref<!tpu.dma_semaphore, #tpu.memory_space<semaphore_mem>>) src(%dma_wait3A_226 : memref<8192x1024xf32, #tpu.memory_space<hbm>>) dst(%dma_wait3A_221 : memref<16x1024xf32, #tpu.memory_space<vmem>>)
    %add3A_227 = arith.constant 64 : i32
    %add3A_228 = arith.addi %mul3A_2, %add3A_227 : i32
    %dma_start3A_229 = arith.constant 4 : i32
    %dma_start3A_230 = arith.constant 0 : i32
    %dma_start3A_231 = arith.constant 0 : i32
    %dma_start3A_232 = tpu.memref_slice %arg6[%dma_start3A_229, %dma_start3A_230, %dma_start3A_231] : memref<7x16x1024xf32, #tpu.memory_space<vmem>> -> memref<1x16x1024xf32, #tpu.memory_space<vmem>>
    %dma_start3A_233 = tpu.memref_squeeze %dma_start3A_232 : memref<1x16x1024xf32, #tpu.memory_space<vmem>> -> memref<16x1024xf32, #tpu.memory_space<vmem>>
    %dma_start3A_234 = arith.constant 0 : i32
    %dma_start3A_235 = tpu.memref_slice %arg4[%add3A_228, %dma_start3A_234] : memref<8192x1024xf32, #tpu.memory_space<hbm>> -> memref<16x1024xf32, #tpu.memory_space<hbm>>
    %dma_start3A_236 = arith.constant 0 : i32
    %dma_start3A_237 = tpu.memref_slice %arg4[%add3A_228, %dma_start3A_236] : memref<8192x1024xf32, #tpu.memory_space<hbm>> -> memref<16x1024xf32, #tpu.memory_space<hbm>>
    %dma_start3A_238 = arith.constant 0 : i32
    %dma_start3A_239 = arith.constant 0 : i32
    %dma_start3A_240 = tpu.memref_slice %arg6[%dma_start3A_229, %dma_start3A_238, %dma_start3A_239] : memref<7x16x1024xf32, #tpu.memory_space<vmem>> -> memref<1x16x1024xf32, #tpu.memory_space<vmem>>
    %dma_start3A_241 = tpu.memref_squeeze %dma_start3A_240 : memref<1x16x1024xf32, #tpu.memory_space<vmem>> -> memref<16x1024xf32, #tpu.memory_space<vmem>>
    tpu.enqueue_dma source(%dma_start3A_241 : memref<16x1024xf32, #tpu.memory_space<vmem>>) target(%dma_start3A_237 : memref<16x1024xf32, #tpu.memory_space<hbm>>) target_semaphore(%arg18 : memref<!tpu.dma_semaphore, #tpu.memory_space<semaphore_mem>>)
    %dma_wait3A_242 = arith.constant 2 : i32
    %dma_wait3A_243 = arith.constant 0 : i32
    %dma_wait3A_244 = arith.constant 0 : i32
    %dma_wait3A_245 = tpu.memref_slice %arg6[%dma_wait3A_242, %dma_wait3A_243, %dma_wait3A_244] : memref<7x16x1024xf32, #tpu.memory_space<vmem>> -> memref<1x16x1024xf32, #tpu.memory_space<vmem>>
    %dma_wait3A_246 = tpu.memref_squeeze %dma_wait3A_245 : memref<1x16x1024xf32, #tpu.memory_space<vmem>> -> memref<16x1024xf32, #tpu.memory_space<vmem>>
    %dma_wait3A_247 = arith.constant 0 : i32
    %dma_wait3A_248 = tpu.memref_slice %arg4[%add3A_132, %dma_wait3A_247] : memref<8192x1024xf32, #tpu.memory_space<hbm>> -> memref<16x1024xf32, #tpu.memory_space<hbm>>
    %dma_wait3A_249 = arith.constant 0 : i32
    %dma_wait3A_250 = tpu.memref_slice %arg4[%add3A_132, %dma_wait3A_249] : memref<8192x1024xf32, #tpu.memory_space<hbm>> -> memref<16x1024xf32, #tpu.memory_space<hbm>>
    %dma_wait3A_251 = arith.constant 0 : i32
    %dma_wait3A_252 = arith.constant 0 : i32
    %dma_wait3A_253 = tpu.memref_slice %arg6[%dma_wait3A_242, %dma_wait3A_251, %dma_wait3A_252] : memref<7x16x1024xf32, #tpu.memory_space<vmem>> -> memref<1x16x1024xf32, #tpu.memory_space<vmem>>
    %dma_wait3A_254 = tpu.memref_squeeze %dma_wait3A_253 : memref<1x16x1024xf32, #tpu.memory_space<vmem>> -> memref<16x1024xf32, #tpu.memory_space<vmem>>
    tpu.wait_dma2 semaphore(%arg16 : memref<!tpu.dma_semaphore, #tpu.memory_space<semaphore_mem>>) src(%dma_wait3A_254 : memref<16x1024xf32, #tpu.memory_space<vmem>>) dst(%dma_wait3A_250 : memref<16x1024xf32, #tpu.memory_space<hbm>>)
    %dma_start3A_255 = arith.constant 2 : i32
    %dma_start3A_256 = arith.constant 0 : i32
    %dma_start3A_257 = arith.constant 0 : i32
    %dma_start3A_258 = tpu.memref_slice %arg6[%dma_start3A_255, %dma_start3A_256, %dma_start3A_257] : memref<7x16x1024xf32, #tpu.memory_space<vmem>> -> memref<1x16x1024xf32, #tpu.memory_space<vmem>>
    %dma_start3A_259 = tpu.memref_squeeze %dma_start3A_258 : memref<1x16x1024xf32, #tpu.memory_space<vmem>> -> memref<16x1024xf32, #tpu.memory_space<vmem>>
    %dma_start3A_260 = arith.constant 144 : i32
    %dma_start3A_261 = tpu.memref_slice %arg5[%dma_start3A_260] : memref<256xi32, #tpu.memory_space<vmem>> -> memref<16xi32, #tpu.memory_space<vmem>>
    %dma_start3A_262 = arith.constant 0 : i32
    %dma_start3A_263 = arith.constant 0 : i32
    %dma_start3A_264 = tpu.memref_slice %arg3[%dma_start3A_262, %dma_start3A_263] : memref<8192x1024xf32, #tpu.memory_space<hbm>> -> memref<8192x1024xf32, #tpu.memory_space<hbm>>
    tpu.enqueue_indirect_dma source(%dma_start3A_264 : memref<8192x1024xf32, #tpu.memory_space<hbm>>) target(%dma_start3A_259 : memref<16x1024xf32, #tpu.memory_space<vmem>>) offsets(%dma_start3A_261 : memref<16xi32, #tpu.memory_space<vmem>>) semaphore(%arg9 : memref<!tpu.dma_semaphore, #tpu.memory_space<semaphore_mem>>)
    %dma_wait3A_265 = arith.constant 5 : i32
    %dma_wait3A_266 = arith.constant 0 : i32
    %dma_wait3A_267 = arith.constant 0 : i32
    %dma_wait3A_268 = tpu.memref_slice %arg6[%dma_wait3A_265, %dma_wait3A_266, %dma_wait3A_267] : memref<7x16x1024xf32, #tpu.memory_space<vmem>> -> memref<1x16x1024xf32, #tpu.memory_space<vmem>>
    %dma_wait3A_269 = tpu.memref_squeeze %dma_wait3A_268 : memref<1x16x1024xf32, #tpu.memory_space<vmem>> -> memref<16x1024xf32, #tpu.memory_space<vmem>>
    %dma_wait3A_270 = arith.constant 80 : i32
    %dma_wait3A_271 = tpu.memref_slice %arg5[%dma_wait3A_270] : memref<256xi32, #tpu.memory_space<vmem>> -> memref<16xi32, #tpu.memory_space<vmem>>
    %dma_wait3A_272 = arith.constant 0 : i32
    %dma_wait3A_273 = arith.constant 0 : i32
    %dma_wait3A_274 = tpu.memref_slice %arg3[%dma_wait3A_272, %dma_wait3A_273] : memref<8192x1024xf32, #tpu.memory_space<hbm>> -> memref<8192x1024xf32, #tpu.memory_space<hbm>>
    tpu.wait_indirect_dma semaphore(%arg12 : memref<!tpu.dma_semaphore, #tpu.memory_space<semaphore_mem>>) src(%dma_wait3A_274 : memref<8192x1024xf32, #tpu.memory_space<hbm>>) dst(%dma_wait3A_269 : memref<16x1024xf32, #tpu.memory_space<vmem>>)
    %add3A_275 = arith.constant 80 : i32
    %add3A_276 = arith.addi %mul3A_2, %add3A_275 : i32
    %dma_start3A_277 = arith.constant 5 : i32
    %dma_start3A_278 = arith.constant 0 : i32
    %dma_start3A_279 = arith.constant 0 : i32
    %dma_start3A_280 = tpu.memref_slice %arg6[%dma_start3A_277, %dma_start3A_278, %dma_start3A_279] : memref<7x16x1024xf32, #tpu.memory_space<vmem>> -> memref<1x16x1024xf32, #tpu.memory_space<vmem>>
    %dma_start3A_281 = tpu.memref_squeeze %dma_start3A_280 : memref<1x16x1024xf32, #tpu.memory_space<vmem>> -> memref<16x1024xf32, #tpu.memory_space<vmem>>
    %dma_start3A_282 = arith.constant 0 : i32
    %dma_start3A_283 = tpu.memref_slice %arg4[%add3A_276, %dma_start3A_282] : memref<8192x1024xf32, #tpu.memory_space<hbm>> -> memref<16x1024xf32, #tpu.memory_space<hbm>>
    %dma_start3A_284 = arith.constant 0 : i32
    %dma_start3A_285 = tpu.memref_slice %arg4[%add3A_276, %dma_start3A_284] : memref<8192x1024xf32, #tpu.memory_space<hbm>> -> memref<16x1024xf32, #tpu.memory_space<hbm>>
    %dma_start3A_286 = arith.constant 0 : i32
    %dma_start3A_287 = arith.constant 0 : i32
    %dma_start3A_288 = tpu.memref_slice %arg6[%dma_start3A_277, %dma_start3A_286, %dma_start3A_287] : memref<7x16x1024xf32, #tpu.memory_space<vmem>> -> memref<1x16x1024xf32, #tpu.memory_space<vmem>>
    %dma_start3A_289 = tpu.memref_squeeze %dma_start3A_288 : memref<1x16x1024xf32, #tpu.memory_space<vmem>> -> memref<16x1024xf32, #tpu.memory_space<vmem>>
    tpu.enqueue_dma source(%dma_start3A_289 : memref<16x1024xf32, #tpu.memory_space<vmem>>) target(%dma_start3A_285 : memref<16x1024xf32, #tpu.memory_space<hbm>>) target_semaphore(%arg19 : memref<!tpu.dma_semaphore, #tpu.memory_space<semaphore_mem>>)
    %dma_wait3A_290 = arith.constant 3 : i32
    %dma_wait3A_291 = arith.constant 0 : i32
    %dma_wait3A_292 = arith.constant 0 : i32
    %dma_wait3A_293 = tpu.memref_slice %arg6[%dma_wait3A_290, %dma_wait3A_291, %dma_wait3A_292] : memref<7x16x1024xf32, #tpu.memory_space<vmem>> -> memref<1x16x1024xf32, #tpu.memory_space<vmem>>
    %dma_wait3A_294 = tpu.memref_squeeze %dma_wait3A_293 : memref<1x16x1024xf32, #tpu.memory_space<vmem>> -> memref<16x1024xf32, #tpu.memory_space<vmem>>
    %dma_wait3A_295 = arith.constant 0 : i32
    %dma_wait3A_296 = tpu.memref_slice %arg4[%add3A_180, %dma_wait3A_295] : memref<8192x1024xf32, #tpu.memory_space<hbm>> -> memref<16x1024xf32, #tpu.memory_space<hbm>>
    %dma_wait3A_297 = arith.constant 0 : i32
    %dma_wait3A_298 = tpu.memref_slice %arg4[%add3A_180, %dma_wait3A_297] : memref<8192x1024xf32, #tpu.memory_space<hbm>> -> memref<16x1024xf32, #tpu.memory_space<hbm>>
    %dma_wait3A_299 = arith.constant 0 : i32
    %dma_wait3A_300 = arith.constant 0 : i32
    %dma_wait3A_301 = tpu.memref_slice %arg6[%dma_wait3A_290, %dma_wait3A_299, %dma_wait3A_300] : memref<7x16x1024xf32, #tpu.memory_space<vmem>> -> memref<1x16x1024xf32, #tpu.memory_space<vmem>>
    %dma_wait3A_302 = tpu.memref_squeeze %dma_wait3A_301 : memref<1x16x1024xf32, #tpu.memory_space<vmem>> -> memref<16x1024xf32, #tpu.memory_space<vmem>>
    tpu.wait_dma2 semaphore(%arg17 : memref<!tpu.dma_semaphore, #tpu.memory_space<semaphore_mem>>) src(%dma_wait3A_302 : memref<16x1024xf32, #tpu.memory_space<vmem>>) dst(%dma_wait3A_298 : memref<16x1024xf32, #tpu.memory_space<hbm>>)
    %dma_start3A_303 = arith.constant 3 : i32
    %dma_start3A_304 = arith.constant 0 : i32
    %dma_start3A_305 = arith.constant 0 : i32
    %dma_start3A_306 = tpu.memref_slice %arg6[%dma_start3A_303, %dma_start3A_304, %dma_start3A_305] : memref<7x16x1024xf32, #tpu.memory_space<vmem>> -> memref<1x16x1024xf32, #tpu.memory_space<vmem>>
    %dma_start3A_307 = tpu.memref_squeeze %dma_start3A_306 : memref<1x16x1024xf32, #tpu.memory_space<vmem>> -> memref<16x1024xf32, #tpu.memory_space<vmem>>
    %dma_start3A_308 = arith.constant 160 : i32
    %dma_start3A_309 = tpu.memref_slice %arg5[%dma_start3A_308] : memref<256xi32, #tpu.memory_space<vmem>> -> memref<16xi32, #tpu.memory_space<vmem>>
    %dma_start3A_310 = arith.constant 0 : i32
    %dma_start3A_311 = arith.constant 0 : i32
    %dma_start3A_312 = tpu.memref_slice %arg3[%dma_start3A_310, %dma_start3A_311] : memref<8192x1024xf32, #tpu.memory_space<hbm>> -> memref<8192x1024xf32, #tpu.memory_space<hbm>>
    tpu.enqueue_indirect_dma source(%dma_start3A_312 : memref<8192x1024xf32, #tpu.memory_space<hbm>>) target(%dma_start3A_307 : memref<16x1024xf32, #tpu.memory_space<vmem>>) offsets(%dma_start3A_309 : memref<16xi32, #tpu.memory_space<vmem>>) semaphore(%arg10 : memref<!tpu.dma_semaphore, #tpu.memory_space<semaphore_mem>>)
    %dma_wait3A_313 = arith.constant 6 : i32
    %dma_wait3A_314 = arith.constant 0 : i32
    %dma_wait3A_315 = arith.constant 0 : i32
    %dma_wait3A_316 = tpu.memref_slice %arg6[%dma_wait3A_313, %dma_wait3A_314, %dma_wait3A_315] : memref<7x16x1024xf32, #tpu.memory_space<vmem>> -> memref<1x16x1024xf32, #tpu.memory_space<vmem>>
    %dma_wait3A_317 = tpu.memref_squeeze %dma_wait3A_316 : memref<1x16x1024xf32, #tpu.memory_space<vmem>> -> memref<16x1024xf32, #tpu.memory_space<vmem>>
    %dma_wait3A_318 = arith.constant 96 : i32
    %dma_wait3A_319 = tpu.memref_slice %arg5[%dma_wait3A_318] : memref<256xi32, #tpu.memory_space<vmem>> -> memref<16xi32, #tpu.memory_space<vmem>>
    %dma_wait3A_320 = arith.constant 0 : i32
    %dma_wait3A_321 = arith.constant 0 : i32
    %dma_wait3A_322 = tpu.memref_slice %arg3[%dma_wait3A_320, %dma_wait3A_321] : memref<8192x1024xf32, #tpu.memory_space<hbm>> -> memref<8192x1024xf32, #tpu.memory_space<hbm>>
    tpu.wait_indirect_dma semaphore(%arg13 : memref<!tpu.dma_semaphore, #tpu.memory_space<semaphore_mem>>) src(%dma_wait3A_322 : memref<8192x1024xf32, #tpu.memory_space<hbm>>) dst(%dma_wait3A_317 : memref<16x1024xf32, #tpu.memory_space<vmem>>)
    %add3A_323 = arith.constant 96 : i32
    %add3A_324 = arith.addi %mul3A_2, %add3A_323 : i32
    %dma_start3A_325 = arith.constant 6 : i32
    %dma_start3A_326 = arith.constant 0 : i32
    %dma_start3A_327 = arith.constant 0 : i32
    %dma_start3A_328 = tpu.memref_slice %arg6[%dma_start3A_325, %dma_start3A_326, %dma_start3A_327] : memref<7x16x1024xf32, #tpu.memory_space<vmem>> -> memref<1x16x1024xf32, #tpu.memory_space<vmem>>
    %dma_start3A_329 = tpu.memref_squeeze %dma_start3A_328 : memref<1x16x1024xf32, #tpu.memory_space<vmem>> -> memref<16x1024xf32, #tpu.memory_space<vmem>>
    %dma_start3A_330 = arith.constant 0 : i32
    %dma_start3A_331 = tpu.memref_slice %arg4[%add3A_324, %dma_start3A_330] : memref<8192x1024xf32, #tpu.memory_space<hbm>> -> memref<16x1024xf32, #tpu.memory_space<hbm>>
    %dma_start3A_332 = arith.constant 0 : i32
    %dma_start3A_333 = tpu.memref_slice %arg4[%add3A_324, %dma_start3A_332] : memref<8192x1024xf32, #tpu.memory_space<hbm>> -> memref<16x1024xf32, #tpu.memory_space<hbm>>
    %dma_start3A_334 = arith.constant 0 : i32
    %dma_start3A_335 = arith.constant 0 : i32
    %dma_start3A_336 = tpu.memref_slice %arg6[%dma_start3A_325, %dma_start3A_334, %dma_start3A_335] : memref<7x16x1024xf32, #tpu.memory_space<vmem>> -> memref<1x16x1024xf32, #tpu.memory_space<vmem>>
    %dma_start3A_337 = tpu.memref_squeeze %dma_start3A_336 : memref<1x16x1024xf32, #tpu.memory_space<vmem>> -> memref<16x1024xf32, #tpu.memory_space<vmem>>
    tpu.enqueue_dma source(%dma_start3A_337 : memref<16x1024xf32, #tpu.memory_space<vmem>>) target(%dma_start3A_333 : memref<16x1024xf32, #tpu.memory_space<hbm>>) target_semaphore(%arg20 : memref<!tpu.dma_semaphore, #tpu.memory_space<semaphore_mem>>)
    %dma_wait3A_338 = arith.constant 4 : i32
    %dma_wait3A_339 = arith.constant 0 : i32
    %dma_wait3A_340 = arith.constant 0 : i32
    %dma_wait3A_341 = tpu.memref_slice %arg6[%dma_wait3A_338, %dma_wait3A_339, %dma_wait3A_340] : memref<7x16x1024xf32, #tpu.memory_space<vmem>> -> memref<1x16x1024xf32, #tpu.memory_space<vmem>>
    %dma_wait3A_342 = tpu.memref_squeeze %dma_wait3A_341 : memref<1x16x1024xf32, #tpu.memory_space<vmem>> -> memref<16x1024xf32, #tpu.memory_space<vmem>>
    %dma_wait3A_343 = arith.constant 0 : i32
    %dma_wait3A_344 = tpu.memref_slice %arg4[%add3A_228, %dma_wait3A_343] : memref<8192x1024xf32, #tpu.memory_space<hbm>> -> memref<16x1024xf32, #tpu.memory_space<hbm>>
    %dma_wait3A_345 = arith.constant 0 : i32
    %dma_wait3A_346 = tpu.memref_slice %arg4[%add3A_228, %dma_wait3A_345] : memref<8192x1024xf32, #tpu.memory_space<hbm>> -> memref<16x1024xf32, #tpu.memory_space<hbm>>
    %dma_wait3A_347 = arith.constant 0 : i32
    %dma_wait3A_348 = arith.constant 0 : i32
    %dma_wait3A_349 = tpu.memref_slice %arg6[%dma_wait3A_338, %dma_wait3A_347, %dma_wait3A_348] : memref<7x16x1024xf32, #tpu.memory_space<vmem>> -> memref<1x16x1024xf32, #tpu.memory_space<vmem>>
    %dma_wait3A_350 = tpu.memref_squeeze %dma_wait3A_349 : memref<1x16x1024xf32, #tpu.memory_space<vmem>> -> memref<16x1024xf32, #tpu.memory_space<vmem>>
    tpu.wait_dma2 semaphore(%arg18 : memref<!tpu.dma_semaphore, #tpu.memory_space<semaphore_mem>>) src(%dma_wait3A_350 : memref<16x1024xf32, #tpu.memory_space<vmem>>) dst(%dma_wait3A_346 : memref<16x1024xf32, #tpu.memory_space<hbm>>)
    %dma_start3A_351 = arith.constant 4 : i32
    %dma_start3A_352 = arith.constant 0 : i32
    %dma_start3A_353 = arith.constant 0 : i32
    %dma_start3A_354 = tpu.memref_slice %arg6[%dma_start3A_351, %dma_start3A_352, %dma_start3A_353] : memref<7x16x1024xf32, #tpu.memory_space<vmem>> -> memref<1x16x1024xf32, #tpu.memory_space<vmem>>
    %dma_start3A_355 = tpu.memref_squeeze %dma_start3A_354 : memref<1x16x1024xf32, #tpu.memory_space<vmem>> -> memref<16x1024xf32, #tpu.memory_space<vmem>>
    %dma_start3A_356 = arith.constant 176 : i32
    %dma_start3A_357 = tpu.memref_slice %arg5[%dma_start3A_356] : memref<256xi32, #tpu.memory_space<vmem>> -> memref<16xi32, #tpu.memory_space<vmem>>
    %dma_start3A_358 = arith.constant 0 : i32
    %dma_start3A_359 = arith.constant 0 : i32
    %dma_start3A_360 = tpu.memref_slice %arg3[%dma_start3A_358, %dma_start3A_359] : memref<8192x1024xf32, #tpu.memory_space<hbm>> -> memref<8192x1024xf32, #tpu.memory_space<hbm>>
    tpu.enqueue_indirect_dma source(%dma_start3A_360 : memref<8192x1024xf32, #tpu.memory_space<hbm>>) target(%dma_start3A_355 : memref<16x1024xf32, #tpu.memory_space<vmem>>) offsets(%dma_start3A_357 : memref<16xi32, #tpu.memory_space<vmem>>) semaphore(%arg11 : memref<!tpu.dma_semaphore, #tpu.memory_space<semaphore_mem>>)
    %dma_wait3A_361 = arith.constant 0 : i32
    %dma_wait3A_362 = arith.constant 0 : i32
    %dma_wait3A_363 = arith.constant 0 : i32
    %dma_wait3A_364 = tpu.memref_slice %arg6[%dma_wait3A_361, %dma_wait3A_362, %dma_wait3A_363] : memref<7x16x1024xf32, #tpu.memory_space<vmem>> -> memref<1x16x1024xf32, #tpu.memory_space<vmem>>
    %dma_wait3A_365 = tpu.memref_squeeze %dma_wait3A_364 : memref<1x16x1024xf32, #tpu.memory_space<vmem>> -> memref<16x1024xf32, #tpu.memory_space<vmem>>
    %dma_wait3A_366 = arith.constant 112 : i32
    %dma_wait3A_367 = tpu.memref_slice %arg5[%dma_wait3A_366] : memref<256xi32, #tpu.memory_space<vmem>> -> memref<16xi32, #tpu.memory_space<vmem>>
    %dma_wait3A_368 = arith.constant 0 : i32
    %dma_wait3A_369 = arith.constant 0 : i32
    %dma_wait3A_370 = tpu.memref_slice %arg3[%dma_wait3A_368, %dma_wait3A_369] : memref<8192x1024xf32, #tpu.memory_space<hbm>> -> memref<8192x1024xf32, #tpu.memory_space<hbm>>
    tpu.wait_indirect_dma semaphore(%arg7 : memref<!tpu.dma_semaphore, #tpu.memory_space<semaphore_mem>>) src(%dma_wait3A_370 : memref<8192x1024xf32, #tpu.memory_space<hbm>>) dst(%dma_wait3A_365 : memref<16x1024xf32, #tpu.memory_space<vmem>>)
    %add3A_371 = arith.constant 112 : i32
    %add3A_372 = arith.addi %mul3A_2, %add3A_371 : i32
    %dma_start3A_373 = arith.constant 0 : i32
    %dma_start3A_374 = arith.constant 0 : i32
    %dma_start3A_375 = arith.constant 0 : i32
    %dma_start3A_376 = tpu.memref_slice %arg6[%dma_start3A_373, %dma_start3A_374, %dma_start3A_375] : memref<7x16x1024xf32, #tpu.memory_space<vmem>> -> memref<1x16x1024xf32, #tpu.memory_space<vmem>>
    %dma_start3A_377 = tpu.memref_squeeze %dma_start3A_376 : memref<1x16x1024xf32, #tpu.memory_space<vmem>> -> memref<16x1024xf32, #tpu.memory_space<vmem>>
    %dma_start3A_378 = arith.constant 0 : i32
    %dma_start3A_379 = tpu.memref_slice %arg4[%add3A_372, %dma_start3A_378] : memref<8192x1024xf32, #tpu.memory_space<hbm>> -> memref<16x1024xf32, #tpu.memory_space<hbm>>
    %dma_start3A_380 = arith.constant 0 : i32
    %dma_start3A_381 = tpu.memref_slice %arg4[%add3A_372, %dma_start3A_380] : memref<8192x1024xf32, #tpu.memory_space<hbm>> -> memref<16x1024xf32, #tpu.memory_space<hbm>>
    %dma_start3A_382 = arith.constant 0 : i32
    %dma_start3A_383 = arith.constant 0 : i32
    %dma_start3A_384 = tpu.memref_slice %arg6[%dma_start3A_373, %dma_start3A_382, %dma_start3A_383] : memref<7x16x1024xf32, #tpu.memory_space<vmem>> -> memref<1x16x1024xf32, #tpu.memory_space<vmem>>
    %dma_start3A_385 = tpu.memref_squeeze %dma_start3A_384 : memref<1x16x1024xf32, #tpu.memory_space<vmem>> -> memref<16x1024xf32, #tpu.memory_space<vmem>>
    tpu.enqueue_dma source(%dma_start3A_385 : memref<16x1024xf32, #tpu.memory_space<vmem>>) target(%dma_start3A_381 : memref<16x1024xf32, #tpu.memory_space<hbm>>) target_semaphore(%arg14 : memref<!tpu.dma_semaphore, #tpu.memory_space<semaphore_mem>>)
    %dma_wait3A_386 = arith.constant 5 : i32
    %dma_wait3A_387 = arith.constant 0 : i32
    %dma_wait3A_388 = arith.constant 0 : i32
    %dma_wait3A_389 = tpu.memref_slice %arg6[%dma_wait3A_386, %dma_wait3A_387, %dma_wait3A_388] : memref<7x16x1024xf32, #tpu.memory_space<vmem>> -> memref<1x16x1024xf32, #tpu.memory_space<vmem>>
    %dma_wait3A_390 = tpu.memref_squeeze %dma_wait3A_389 : memref<1x16x1024xf32, #tpu.memory_space<vmem>> -> memref<16x1024xf32, #tpu.memory_space<vmem>>
    %dma_wait3A_391 = arith.constant 0 : i32
    %dma_wait3A_392 = tpu.memref_slice %arg4[%add3A_276, %dma_wait3A_391] : memref<8192x1024xf32, #tpu.memory_space<hbm>> -> memref<16x1024xf32, #tpu.memory_space<hbm>>
    %dma_wait3A_393 = arith.constant 0 : i32
    %dma_wait3A_394 = tpu.memref_slice %arg4[%add3A_276, %dma_wait3A_393] : memref<8192x1024xf32, #tpu.memory_space<hbm>> -> memref<16x1024xf32, #tpu.memory_space<hbm>>
    %dma_wait3A_395 = arith.constant 0 : i32
    %dma_wait3A_396 = arith.constant 0 : i32
    %dma_wait3A_397 = tpu.memref_slice %arg6[%dma_wait3A_386, %dma_wait3A_395, %dma_wait3A_396] : memref<7x16x1024xf32, #tpu.memory_space<vmem>> -> memref<1x16x1024xf32, #tpu.memory_space<vmem>>
    %dma_wait3A_398 = tpu.memref_squeeze %dma_wait3A_397 : memref<1x16x1024xf32, #tpu.memory_space<vmem>> -> memref<16x1024xf32, #tpu.memory_space<vmem>>
    tpu.wait_dma2 semaphore(%arg19 : memref<!tpu.dma_semaphore, #tpu.memory_space<semaphore_mem>>) src(%dma_wait3A_398 : memref<16x1024xf32, #tpu.memory_space<vmem>>) dst(%dma_wait3A_394 : memref<16x1024xf32, #tpu.memory_space<hbm>>)
    %dma_start3A_399 = arith.constant 5 : i32
    %dma_start3A_400 = arith.constant 0 : i32
    %dma_start3A_401 = arith.constant 0 : i32
    %dma_start3A_402 = tpu.memref_slice %arg6[%dma_start3A_399, %dma_start3A_400, %dma_start3A_401] : memref<7x16x1024xf32, #tpu.memory_space<vmem>> -> memref<1x16x1024xf32, #tpu.memory_space<vmem>>
    %dma_start3A_403 = tpu.memref_squeeze %dma_start3A_402 : memref<1x16x1024xf32, #tpu.memory_space<vmem>> -> memref<16x1024xf32, #tpu.memory_space<vmem>>
    %dma_start3A_404 = arith.constant 192 : i32
    %dma_start3A_405 = tpu.memref_slice %arg5[%dma_start3A_404] : memref<256xi32, #tpu.memory_space<vmem>> -> memref<16xi32, #tpu.memory_space<vmem>>
    %dma_start3A_406 = arith.constant 0 : i32
    %dma_start3A_407 = arith.constant 0 : i32
    %dma_start3A_408 = tpu.memref_slice %arg3[%dma_start3A_406, %dma_start3A_407] : memref<8192x1024xf32, #tpu.memory_space<hbm>> -> memref<8192x1024xf32, #tpu.memory_space<hbm>>
    tpu.enqueue_indirect_dma source(%dma_start3A_408 : memref<8192x1024xf32, #tpu.memory_space<hbm>>) target(%dma_start3A_403 : memref<16x1024xf32, #tpu.memory_space<vmem>>) offsets(%dma_start3A_405 : memref<16xi32, #tpu.memory_space<vmem>>) semaphore(%arg12 : memref<!tpu.dma_semaphore, #tpu.memory_space<semaphore_mem>>)
    %dma_wait3A_409 = arith.constant 1 : i32
    %dma_wait3A_410 = arith.constant 0 : i32
    %dma_wait3A_411 = arith.constant 0 : i32
    %dma_wait3A_412 = tpu.memref_slice %arg6[%dma_wait3A_409, %dma_wait3A_410, %dma_wait3A_411] : memref<7x16x1024xf32, #tpu.memory_space<vmem>> -> memref<1x16x1024xf32, #tpu.memory_space<vmem>>
    %dma_wait3A_413 = tpu.memref_squeeze %dma_wait3A_412 : memref<1x16x1024xf32, #tpu.memory_space<vmem>> -> memref<16x1024xf32, #tpu.memory_space<vmem>>
    %dma_wait3A_414 = arith.constant 128 : i32
    %dma_wait3A_415 = tpu.memref_slice %arg5[%dma_wait3A_414] : memref<256xi32, #tpu.memory_space<vmem>> -> memref<16xi32, #tpu.memory_space<vmem>>
    %dma_wait3A_416 = arith.constant 0 : i32
    %dma_wait3A_417 = arith.constant 0 : i32
    %dma_wait3A_418 = tpu.memref_slice %arg3[%dma_wait3A_416, %dma_wait3A_417] : memref<8192x1024xf32, #tpu.memory_space<hbm>> -> memref<8192x1024xf32, #tpu.memory_space<hbm>>
    tpu.wait_indirect_dma semaphore(%arg8 : memref<!tpu.dma_semaphore, #tpu.memory_space<semaphore_mem>>) src(%dma_wait3A_418 : memref<8192x1024xf32, #tpu.memory_space<hbm>>) dst(%dma_wait3A_413 : memref<16x1024xf32, #tpu.memory_space<vmem>>)
    %add3A_419 = arith.constant 128 : i32
    %add3A_420 = arith.addi %mul3A_2, %add3A_419 : i32
    %dma_start3A_421 = arith.constant 1 : i32
    %dma_start3A_422 = arith.constant 0 : i32
    %dma_start3A_423 = arith.constant 0 : i32
    %dma_start3A_424 = tpu.memref_slice %arg6[%dma_start3A_421, %dma_start3A_422, %dma_start3A_423] : memref<7x16x1024xf32, #tpu.memory_space<vmem>> -> memref<1x16x1024xf32, #tpu.memory_space<vmem>>
    %dma_start3A_425 = tpu.memref_squeeze %dma_start3A_424 : memref<1x16x1024xf32, #tpu.memory_space<vmem>> -> memref<16x1024xf32, #tpu.memory_space<vmem>>
    %dma_start3A_426 = arith.constant 0 : i32
    %dma_start3A_427 = tpu.memref_slice %arg4[%add3A_420, %dma_start3A_426] : memref<8192x1024xf32, #tpu.memory_space<hbm>> -> memref<16x1024xf32, #tpu.memory_space<hbm>>
    %dma_start3A_428 = arith.constant 0 : i32
    %dma_start3A_429 = tpu.memref_slice %arg4[%add3A_420, %dma_start3A_428] : memref<8192x1024xf32, #tpu.memory_space<hbm>> -> memref<16x1024xf32, #tpu.memory_space<hbm>>
    %dma_start3A_430 = arith.constant 0 : i32
    %dma_start3A_431 = arith.constant 0 : i32
    %dma_start3A_432 = tpu.memref_slice %arg6[%dma_start3A_421, %dma_start3A_430, %dma_start3A_431] : memref<7x16x1024xf32, #tpu.memory_space<vmem>> -> memref<1x16x1024xf32, #tpu.memory_space<vmem>>
    %dma_start3A_433 = tpu.memref_squeeze %dma_start3A_432 : memref<1x16x1024xf32, #tpu.memory_space<vmem>> -> memref<16x1024xf32, #tpu.memory_space<vmem>>
    tpu.enqueue_dma source(%dma_start3A_433 : memref<16x1024xf32, #tpu.memory_space<vmem>>) target(%dma_start3A_429 : memref<16x1024xf32, #tpu.memory_space<hbm>>) target_semaphore(%arg15 : memref<!tpu.dma_semaphore, #tpu.memory_space<semaphore_mem>>)
    %dma_wait3A_434 = arith.constant 6 : i32
    %dma_wait3A_435 = arith.constant 0 : i32
    %dma_wait3A_436 = arith.constant 0 : i32
    %dma_wait3A_437 = tpu.memref_slice %arg6[%dma_wait3A_434, %dma_wait3A_435, %dma_wait3A_436] : memref<7x16x1024xf32, #tpu.memory_space<vmem>> -> memref<1x16x1024xf32, #tpu.memory_space<vmem>>
    %dma_wait3A_438 = tpu.memref_squeeze %dma_wait3A_437 : memref<1x16x1024xf32, #tpu.memory_space<vmem>> -> memref<16x1024xf32, #tpu.memory_space<vmem>>
    %dma_wait3A_439 = arith.constant 0 : i32
    %dma_wait3A_440 = tpu.memref_slice %arg4[%add3A_324, %dma_wait3A_439] : memref<8192x1024xf32, #tpu.memory_space<hbm>> -> memref<16x1024xf32, #tpu.memory_space<hbm>>
    %dma_wait3A_441 = arith.constant 0 : i32
    %dma_wait3A_442 = tpu.memref_slice %arg4[%add3A_324, %dma_wait3A_441] : memref<8192x1024xf32, #tpu.memory_space<hbm>> -> memref<16x1024xf32, #tpu.memory_space<hbm>>
    %dma_wait3A_443 = arith.constant 0 : i32
    %dma_wait3A_444 = arith.constant 0 : i32
    %dma_wait3A_445 = tpu.memref_slice %arg6[%dma_wait3A_434, %dma_wait3A_443, %dma_wait3A_444] : memref<7x16x1024xf32, #tpu.memory_space<vmem>> -> memref<1x16x1024xf32, #tpu.memory_space<vmem>>
    %dma_wait3A_446 = tpu.memref_squeeze %dma_wait3A_445 : memref<1x16x1024xf32, #tpu.memory_space<vmem>> -> memref<16x1024xf32, #tpu.memory_space<vmem>>
    tpu.wait_dma2 semaphore(%arg20 : memref<!tpu.dma_semaphore, #tpu.memory_space<semaphore_mem>>) src(%dma_wait3A_446 : memref<16x1024xf32, #tpu.memory_space<vmem>>) dst(%dma_wait3A_442 : memref<16x1024xf32, #tpu.memory_space<hbm>>)
    %dma_start3A_447 = arith.constant 6 : i32
    %dma_start3A_448 = arith.constant 0 : i32
    %dma_start3A_449 = arith.constant 0 : i32
    %dma_start3A_450 = tpu.memref_slice %arg6[%dma_start3A_447, %dma_start3A_448, %dma_start3A_449] : memref<7x16x1024xf32, #tpu.memory_space<vmem>> -> memref<1x16x1024xf32, #tpu.memory_space<vmem>>
    %dma_start3A_451 = tpu.memref_squeeze %dma_start3A_450 : memref<1x16x1024xf32, #tpu.memory_space<vmem>> -> memref<16x1024xf32, #tpu.memory_space<vmem>>
    %dma_start3A_452 = arith.constant 208 : i32
    %dma_start3A_453 = tpu.memref_slice %arg5[%dma_start3A_452] : memref<256xi32, #tpu.memory_space<vmem>> -> memref<16xi32, #tpu.memory_space<vmem>>
    %dma_start3A_454 = arith.constant 0 : i32
    %dma_start3A_455 = arith.constant 0 : i32
    %dma_start3A_456 = tpu.memref_slice %arg3[%dma_start3A_454, %dma_start3A_455] : memref<8192x1024xf32, #tpu.memory_space<hbm>> -> memref<8192x1024xf32, #tpu.memory_space<hbm>>
    tpu.enqueue_indirect_dma source(%dma_start3A_456 : memref<8192x1024xf32, #tpu.memory_space<hbm>>) target(%dma_start3A_451 : memref<16x1024xf32, #tpu.memory_space<vmem>>) offsets(%dma_start3A_453 : memref<16xi32, #tpu.memory_space<vmem>>) semaphore(%arg13 : memref<!tpu.dma_semaphore, #tpu.memory_space<semaphore_mem>>)
    %dma_wait3A_457 = arith.constant 2 : i32
    %dma_wait3A_458 = arith.constant 0 : i32
    %dma_wait3A_459 = arith.constant 0 : i32
    %dma_wait3A_460 = tpu.memref_slice %arg6[%dma_wait3A_457, %dma_wait3A_458, %dma_wait3A_459] : memref<7x16x1024xf32, #tpu.memory_space<vmem>> -> memref<1x16x1024xf32, #tpu.memory_space<vmem>>
    %dma_wait3A_461 = tpu.memref_squeeze %dma_wait3A_460 : memref<1x16x1024xf32, #tpu.memory_space<vmem>> -> memref<16x1024xf32, #tpu.memory_space<vmem>>
    %dma_wait3A_462 = arith.constant 144 : i32
    %dma_wait3A_463 = tpu.memref_slice %arg5[%dma_wait3A_462] : memref<256xi32, #tpu.memory_space<vmem>> -> memref<16xi32, #tpu.memory_space<vmem>>
    %dma_wait3A_464 = arith.constant 0 : i32
    %dma_wait3A_465 = arith.constant 0 : i32
    %dma_wait3A_466 = tpu.memref_slice %arg3[%dma_wait3A_464, %dma_wait3A_465] : memref<8192x1024xf32, #tpu.memory_space<hbm>> -> memref<8192x1024xf32, #tpu.memory_space<hbm>>
    tpu.wait_indirect_dma semaphore(%arg9 : memref<!tpu.dma_semaphore, #tpu.memory_space<semaphore_mem>>) src(%dma_wait3A_466 : memref<8192x1024xf32, #tpu.memory_space<hbm>>) dst(%dma_wait3A_461 : memref<16x1024xf32, #tpu.memory_space<vmem>>)
    %add3A_467 = arith.constant 144 : i32
    %add3A_468 = arith.addi %mul3A_2, %add3A_467 : i32
    %dma_start3A_469 = arith.constant 2 : i32
    %dma_start3A_470 = arith.constant 0 : i32
    %dma_start3A_471 = arith.constant 0 : i32
    %dma_start3A_472 = tpu.memref_slice %arg6[%dma_start3A_469, %dma_start3A_470, %dma_start3A_471] : memref<7x16x1024xf32, #tpu.memory_space<vmem>> -> memref<1x16x1024xf32, #tpu.memory_space<vmem>>
    %dma_start3A_473 = tpu.memref_squeeze %dma_start3A_472 : memref<1x16x1024xf32, #tpu.memory_space<vmem>> -> memref<16x1024xf32, #tpu.memory_space<vmem>>
    %dma_start3A_474 = arith.constant 0 : i32
    %dma_start3A_475 = tpu.memref_slice %arg4[%add3A_468, %dma_start3A_474] : memref<8192x1024xf32, #tpu.memory_space<hbm>> -> memref<16x1024xf32, #tpu.memory_space<hbm>>
    %dma_start3A_476 = arith.constant 0 : i32
    %dma_start3A_477 = tpu.memref_slice %arg4[%add3A_468, %dma_start3A_476] : memref<8192x1024xf32, #tpu.memory_space<hbm>> -> memref<16x1024xf32, #tpu.memory_space<hbm>>
    %dma_start3A_478 = arith.constant 0 : i32
    %dma_start3A_479 = arith.constant 0 : i32
    %dma_start3A_480 = tpu.memref_slice %arg6[%dma_start3A_469, %dma_start3A_478, %dma_start3A_479] : memref<7x16x1024xf32, #tpu.memory_space<vmem>> -> memref<1x16x1024xf32, #tpu.memory_space<vmem>>
    %dma_start3A_481 = tpu.memref_squeeze %dma_start3A_480 : memref<1x16x1024xf32, #tpu.memory_space<vmem>> -> memref<16x1024xf32, #tpu.memory_space<vmem>>
    tpu.enqueue_dma source(%dma_start3A_481 : memref<16x1024xf32, #tpu.memory_space<vmem>>) target(%dma_start3A_477 : memref<16x1024xf32, #tpu.memory_space<hbm>>) target_semaphore(%arg16 : memref<!tpu.dma_semaphore, #tpu.memory_space<semaphore_mem>>)
    %dma_wait3A_482 = arith.constant 0 : i32
    %dma_wait3A_483 = arith.constant 0 : i32
    %dma_wait3A_484 = arith.constant 0 : i32
    %dma_wait3A_485 = tpu.memref_slice %arg6[%dma_wait3A_482, %dma_wait3A_483, %dma_wait3A_484] : memref<7x16x1024xf32, #tpu.memory_space<vmem>> -> memref<1x16x1024xf32, #tpu.memory_space<vmem>>
    %dma_wait3A_486 = tpu.memref_squeeze %dma_wait3A_485 : memref<1x16x1024xf32, #tpu.memory_space<vmem>> -> memref<16x1024xf32, #tpu.memory_space<vmem>>
    %dma_wait3A_487 = arith.constant 0 : i32
    %dma_wait3A_488 = tpu.memref_slice %arg4[%add3A_372, %dma_wait3A_487] : memref<8192x1024xf32, #tpu.memory_space<hbm>> -> memref<16x1024xf32, #tpu.memory_space<hbm>>
    %dma_wait3A_489 = arith.constant 0 : i32
    %dma_wait3A_490 = tpu.memref_slice %arg4[%add3A_372, %dma_wait3A_489] : memref<8192x1024xf32, #tpu.memory_space<hbm>> -> memref<16x1024xf32, #tpu.memory_space<hbm>>
    %dma_wait3A_491 = arith.constant 0 : i32
    %dma_wait3A_492 = arith.constant 0 : i32
    %dma_wait3A_493 = tpu.memref_slice %arg6[%dma_wait3A_482, %dma_wait3A_491, %dma_wait3A_492] : memref<7x16x1024xf32, #tpu.memory_space<vmem>> -> memref<1x16x1024xf32, #tpu.memory_space<vmem>>
    %dma_wait3A_494 = tpu.memref_squeeze %dma_wait3A_493 : memref<1x16x1024xf32, #tpu.memory_space<vmem>> -> memref<16x1024xf32, #tpu.memory_space<vmem>>
    tpu.wait_dma2 semaphore(%arg14 : memref<!tpu.dma_semaphore, #tpu.memory_space<semaphore_mem>>) src(%dma_wait3A_494 : memref<16x1024xf32, #tpu.memory_space<vmem>>) dst(%dma_wait3A_490 : memref<16x1024xf32, #tpu.memory_space<hbm>>)
    %dma_start3A_495 = arith.constant 0 : i32
    %dma_start3A_496 = arith.constant 0 : i32
    %dma_start3A_497 = arith.constant 0 : i32
    %dma_start3A_498 = tpu.memref_slice %arg6[%dma_start3A_495, %dma_start3A_496, %dma_start3A_497] : memref<7x16x1024xf32, #tpu.memory_space<vmem>> -> memref<1x16x1024xf32, #tpu.memory_space<vmem>>
    %dma_start3A_499 = tpu.memref_squeeze %dma_start3A_498 : memref<1x16x1024xf32, #tpu.memory_space<vmem>> -> memref<16x1024xf32, #tpu.memory_space<vmem>>
    %dma_start3A_500 = arith.constant 224 : i32
    %dma_start3A_501 = tpu.memref_slice %arg5[%dma_start3A_500] : memref<256xi32, #tpu.memory_space<vmem>> -> memref<16xi32, #tpu.memory_space<vmem>>
    %dma_start3A_502 = arith.constant 0 : i32
    %dma_start3A_503 = arith.constant 0 : i32
    %dma_start3A_504 = tpu.memref_slice %arg3[%dma_start3A_502, %dma_start3A_503] : memref<8192x1024xf32, #tpu.memory_space<hbm>> -> memref<8192x1024xf32, #tpu.memory_space<hbm>>
    tpu.enqueue_indirect_dma source(%dma_start3A_504 : memref<8192x1024xf32, #tpu.memory_space<hbm>>) target(%dma_start3A_499 : memref<16x1024xf32, #tpu.memory_space<vmem>>) offsets(%dma_start3A_501 : memref<16xi32, #tpu.memory_space<vmem>>) semaphore(%arg7 : memref<!tpu.dma_semaphore, #tpu.memory_space<semaphore_mem>>)
    %dma_wait3A_505 = arith.constant 3 : i32
    %dma_wait3A_506 = arith.constant 0 : i32
    %dma_wait3A_507 = arith.constant 0 : i32
    %dma_wait3A_508 = tpu.memref_slice %arg6[%dma_wait3A_505, %dma_wait3A_506, %dma_wait3A_507] : memref<7x16x1024xf32, #tpu.memory_space<vmem>> -> memref<1x16x1024xf32, #tpu.memory_space<vmem>>
    %dma_wait3A_509 = tpu.memref_squeeze %dma_wait3A_508 : memref<1x16x1024xf32, #tpu.memory_space<vmem>> -> memref<16x1024xf32, #tpu.memory_space<vmem>>
    %dma_wait3A_510 = arith.constant 160 : i32
    %dma_wait3A_511 = tpu.memref_slice %arg5[%dma_wait3A_510] : memref<256xi32, #tpu.memory_space<vmem>> -> memref<16xi32, #tpu.memory_space<vmem>>
    %dma_wait3A_512 = arith.constant 0 : i32
    %dma_wait3A_513 = arith.constant 0 : i32
    %dma_wait3A_514 = tpu.memref_slice %arg3[%dma_wait3A_512, %dma_wait3A_513] : memref<8192x1024xf32, #tpu.memory_space<hbm>> -> memref<8192x1024xf32, #tpu.memory_space<hbm>>
    tpu.wait_indirect_dma semaphore(%arg10 : memref<!tpu.dma_semaphore, #tpu.memory_space<semaphore_mem>>) src(%dma_wait3A_514 : memref<8192x1024xf32, #tpu.memory_space<hbm>>) dst(%dma_wait3A_509 : memref<16x1024xf32, #tpu.memory_space<vmem>>)
    %add3A_515 = arith.constant 160 : i32
    %add3A_516 = arith.addi %mul3A_2, %add3A_515 : i32
    %dma_start3A_517 = arith.constant 3 : i32
    %dma_start3A_518 = arith.constant 0 : i32
    %dma_start3A_519 = arith.constant 0 : i32
    %dma_start3A_520 = tpu.memref_slice %arg6[%dma_start3A_517, %dma_start3A_518, %dma_start3A_519] : memref<7x16x1024xf32, #tpu.memory_space<vmem>> -> memref<1x16x1024xf32, #tpu.memory_space<vmem>>
    %dma_start3A_521 = tpu.memref_squeeze %dma_start3A_520 : memref<1x16x1024xf32, #tpu.memory_space<vmem>> -> memref<16x1024xf32, #tpu.memory_space<vmem>>
    %dma_start3A_522 = arith.constant 0 : i32
    %dma_start3A_523 = tpu.memref_slice %arg4[%add3A_516, %dma_start3A_522] : memref<8192x1024xf32, #tpu.memory_space<hbm>> -> memref<16x1024xf32, #tpu.memory_space<hbm>>
    %dma_start3A_524 = arith.constant 0 : i32
    %dma_start3A_525 = tpu.memref_slice %arg4[%add3A_516, %dma_start3A_524] : memref<8192x1024xf32, #tpu.memory_space<hbm>> -> memref<16x1024xf32, #tpu.memory_space<hbm>>
    %dma_start3A_526 = arith.constant 0 : i32
    %dma_start3A_527 = arith.constant 0 : i32
    %dma_start3A_528 = tpu.memref_slice %arg6[%dma_start3A_517, %dma_start3A_526, %dma_start3A_527] : memref<7x16x1024xf32, #tpu.memory_space<vmem>> -> memref<1x16x1024xf32, #tpu.memory_space<vmem>>
    %dma_start3A_529 = tpu.memref_squeeze %dma_start3A_528 : memref<1x16x1024xf32, #tpu.memory_space<vmem>> -> memref<16x1024xf32, #tpu.memory_space<vmem>>
    tpu.enqueue_dma source(%dma_start3A_529 : memref<16x1024xf32, #tpu.memory_space<vmem>>) target(%dma_start3A_525 : memref<16x1024xf32, #tpu.memory_space<hbm>>) target_semaphore(%arg17 : memref<!tpu.dma_semaphore, #tpu.memory_space<semaphore_mem>>)
    %dma_wait3A_530 = arith.constant 1 : i32
    %dma_wait3A_531 = arith.constant 0 : i32
    %dma_wait3A_532 = arith.constant 0 : i32
    %dma_wait3A_533 = tpu.memref_slice %arg6[%dma_wait3A_530, %dma_wait3A_531, %dma_wait3A_532] : memref<7x16x1024xf32, #tpu.memory_space<vmem>> -> memref<1x16x1024xf32, #tpu.memory_space<vmem>>
    %dma_wait3A_534 = tpu.memref_squeeze %dma_wait3A_533 : memref<1x16x1024xf32, #tpu.memory_space<vmem>> -> memref<16x1024xf32, #tpu.memory_space<vmem>>
    %dma_wait3A_535 = arith.constant 0 : i32
    %dma_wait3A_536 = tpu.memref_slice %arg4[%add3A_420, %dma_wait3A_535] : memref<8192x1024xf32, #tpu.memory_space<hbm>> -> memref<16x1024xf32, #tpu.memory_space<hbm>>
    %dma_wait3A_537 = arith.constant 0 : i32
    %dma_wait3A_538 = tpu.memref_slice %arg4[%add3A_420, %dma_wait3A_537] : memref<8192x1024xf32, #tpu.memory_space<hbm>> -> memref<16x1024xf32, #tpu.memory_space<hbm>>
    %dma_wait3A_539 = arith.constant 0 : i32
    %dma_wait3A_540 = arith.constant 0 : i32
    %dma_wait3A_541 = tpu.memref_slice %arg6[%dma_wait3A_530, %dma_wait3A_539, %dma_wait3A_540] : memref<7x16x1024xf32, #tpu.memory_space<vmem>> -> memref<1x16x1024xf32, #tpu.memory_space<vmem>>
    %dma_wait3A_542 = tpu.memref_squeeze %dma_wait3A_541 : memref<1x16x1024xf32, #tpu.memory_space<vmem>> -> memref<16x1024xf32, #tpu.memory_space<vmem>>
    tpu.wait_dma2 semaphore(%arg15 : memref<!tpu.dma_semaphore, #tpu.memory_space<semaphore_mem>>) src(%dma_wait3A_542 : memref<16x1024xf32, #tpu.memory_space<vmem>>) dst(%dma_wait3A_538 : memref<16x1024xf32, #tpu.memory_space<hbm>>)
    %dma_start3A_543 = arith.constant 1 : i32
    %dma_start3A_544 = arith.constant 0 : i32
    %dma_start3A_545 = arith.constant 0 : i32
    %dma_start3A_546 = tpu.memref_slice %arg6[%dma_start3A_543, %dma_start3A_544, %dma_start3A_545] : memref<7x16x1024xf32, #tpu.memory_space<vmem>> -> memref<1x16x1024xf32, #tpu.memory_space<vmem>>
    %dma_start3A_547 = tpu.memref_squeeze %dma_start3A_546 : memref<1x16x1024xf32, #tpu.memory_space<vmem>> -> memref<16x1024xf32, #tpu.memory_space<vmem>>
    %dma_start3A_548 = arith.constant 240 : i32
    %dma_start3A_549 = tpu.memref_slice %arg5[%dma_start3A_548] : memref<256xi32, #tpu.memory_space<vmem>> -> memref<16xi32, #tpu.memory_space<vmem>>
    %dma_start3A_550 = arith.constant 0 : i32
    %dma_start3A_551 = arith.constant 0 : i32
    %dma_start3A_552 = tpu.memref_slice %arg3[%dma_start3A_550, %dma_start3A_551] : memref<8192x1024xf32, #tpu.memory_space<hbm>> -> memref<8192x1024xf32, #tpu.memory_space<hbm>>
    tpu.enqueue_indirect_dma source(%dma_start3A_552 : memref<8192x1024xf32, #tpu.memory_space<hbm>>) target(%dma_start3A_547 : memref<16x1024xf32, #tpu.memory_space<vmem>>) offsets(%dma_start3A_549 : memref<16xi32, #tpu.memory_space<vmem>>) semaphore(%arg8 : memref<!tpu.dma_semaphore, #tpu.memory_space<semaphore_mem>>)
    %dma_wait3A_553 = arith.constant 4 : i32
    %dma_wait3A_554 = arith.constant 0 : i32
    %dma_wait3A_555 = arith.constant 0 : i32
    %dma_wait3A_556 = tpu.memref_slice %arg6[%dma_wait3A_553, %dma_wait3A_554, %dma_wait3A_555] : memref<7x16x1024xf32, #tpu.memory_space<vmem>> -> memref<1x16x1024xf32, #tpu.memory_space<vmem>>
    %dma_wait3A_557 = tpu.memref_squeeze %dma_wait3A_556 : memref<1x16x1024xf32, #tpu.memory_space<vmem>> -> memref<16x1024xf32, #tpu.memory_space<vmem>>
    %dma_wait3A_558 = arith.constant 176 : i32
    %dma_wait3A_559 = tpu.memref_slice %arg5[%dma_wait3A_558] : memref<256xi32, #tpu.memory_space<vmem>> -> memref<16xi32, #tpu.memory_space<vmem>>
    %dma_wait3A_560 = arith.constant 0 : i32
    %dma_wait3A_561 = arith.constant 0 : i32
    %dma_wait3A_562 = tpu.memref_slice %arg3[%dma_wait3A_560, %dma_wait3A_561] : memref<8192x1024xf32, #tpu.memory_space<hbm>> -> memref<8192x1024xf32, #tpu.memory_space<hbm>>
    tpu.wait_indirect_dma semaphore(%arg11 : memref<!tpu.dma_semaphore, #tpu.memory_space<semaphore_mem>>) src(%dma_wait3A_562 : memref<8192x1024xf32, #tpu.memory_space<hbm>>) dst(%dma_wait3A_557 : memref<16x1024xf32, #tpu.memory_space<vmem>>)
    %add3A_563 = arith.constant 176 : i32
    %add3A_564 = arith.addi %mul3A_2, %add3A_563 : i32
    %dma_start3A_565 = arith.constant 4 : i32
    %dma_start3A_566 = arith.constant 0 : i32
    %dma_start3A_567 = arith.constant 0 : i32
    %dma_start3A_568 = tpu.memref_slice %arg6[%dma_start3A_565, %dma_start3A_566, %dma_start3A_567] : memref<7x16x1024xf32, #tpu.memory_space<vmem>> -> memref<1x16x1024xf32, #tpu.memory_space<vmem>>
    %dma_start3A_569 = tpu.memref_squeeze %dma_start3A_568 : memref<1x16x1024xf32, #tpu.memory_space<vmem>> -> memref<16x1024xf32, #tpu.memory_space<vmem>>
    %dma_start3A_570 = arith.constant 0 : i32
    %dma_start3A_571 = tpu.memref_slice %arg4[%add3A_564, %dma_start3A_570] : memref<8192x1024xf32, #tpu.memory_space<hbm>> -> memref<16x1024xf32, #tpu.memory_space<hbm>>
    %dma_start3A_572 = arith.constant 0 : i32
    %dma_start3A_573 = tpu.memref_slice %arg4[%add3A_564, %dma_start3A_572] : memref<8192x1024xf32, #tpu.memory_space<hbm>> -> memref<16x1024xf32, #tpu.memory_space<hbm>>
    %dma_start3A_574 = arith.constant 0 : i32
    %dma_start3A_575 = arith.constant 0 : i32
    %dma_start3A_576 = tpu.memref_slice %arg6[%dma_start3A_565, %dma_start3A_574, %dma_start3A_575] : memref<7x16x1024xf32, #tpu.memory_space<vmem>> -> memref<1x16x1024xf32, #tpu.memory_space<vmem>>
    %dma_start3A_577 = tpu.memref_squeeze %dma_start3A_576 : memref<1x16x1024xf32, #tpu.memory_space<vmem>> -> memref<16x1024xf32, #tpu.memory_space<vmem>>
    tpu.enqueue_dma source(%dma_start3A_577 : memref<16x1024xf32, #tpu.memory_space<vmem>>) target(%dma_start3A_573 : memref<16x1024xf32, #tpu.memory_space<hbm>>) target_semaphore(%arg18 : memref<!tpu.dma_semaphore, #tpu.memory_space<semaphore_mem>>)
    %dma_wait3A_578 = arith.constant 5 : i32
    %dma_wait3A_579 = arith.constant 0 : i32
    %dma_wait3A_580 = arith.constant 0 : i32
    %dma_wait3A_581 = tpu.memref_slice %arg6[%dma_wait3A_578, %dma_wait3A_579, %dma_wait3A_580] : memref<7x16x1024xf32, #tpu.memory_space<vmem>> -> memref<1x16x1024xf32, #tpu.memory_space<vmem>>
    %dma_wait3A_582 = tpu.memref_squeeze %dma_wait3A_581 : memref<1x16x1024xf32, #tpu.memory_space<vmem>> -> memref<16x1024xf32, #tpu.memory_space<vmem>>
    %dma_wait3A_583 = arith.constant 192 : i32
    %dma_wait3A_584 = tpu.memref_slice %arg5[%dma_wait3A_583] : memref<256xi32, #tpu.memory_space<vmem>> -> memref<16xi32, #tpu.memory_space<vmem>>
    %dma_wait3A_585 = arith.constant 0 : i32
    %dma_wait3A_586 = arith.constant 0 : i32
    %dma_wait3A_587 = tpu.memref_slice %arg3[%dma_wait3A_585, %dma_wait3A_586] : memref<8192x1024xf32, #tpu.memory_space<hbm>> -> memref<8192x1024xf32, #tpu.memory_space<hbm>>
    tpu.wait_indirect_dma semaphore(%arg12 : memref<!tpu.dma_semaphore, #tpu.memory_space<semaphore_mem>>) src(%dma_wait3A_587 : memref<8192x1024xf32, #tpu.memory_space<hbm>>) dst(%dma_wait3A_582 : memref<16x1024xf32, #tpu.memory_space<vmem>>)
    %add3A_588 = arith.constant 192 : i32
    %add3A_589 = arith.addi %mul3A_2, %add3A_588 : i32
    %dma_start3A_590 = arith.constant 5 : i32
    %dma_start3A_591 = arith.constant 0 : i32
    %dma_start3A_592 = arith.constant 0 : i32
    %dma_start3A_593 = tpu.memref_slice %arg6[%dma_start3A_590, %dma_start3A_591, %dma_start3A_592] : memref<7x16x1024xf32, #tpu.memory_space<vmem>> -> memref<1x16x1024xf32, #tpu.memory_space<vmem>>
    %dma_start3A_594 = tpu.memref_squeeze %dma_start3A_593 : memref<1x16x1024xf32, #tpu.memory_space<vmem>> -> memref<16x1024xf32, #tpu.memory_space<vmem>>
    %dma_start3A_595 = arith.constant 0 : i32
    %dma_start3A_596 = tpu.memref_slice %arg4[%add3A_589, %dma_start3A_595] : memref<8192x1024xf32, #tpu.memory_space<hbm>> -> memref<16x1024xf32, #tpu.memory_space<hbm>>
    %dma_start3A_597 = arith.constant 0 : i32
    %dma_start3A_598 = tpu.memref_slice %arg4[%add3A_589, %dma_start3A_597] : memref<8192x1024xf32, #tpu.memory_space<hbm>> -> memref<16x1024xf32, #tpu.memory_space<hbm>>
    %dma_start3A_599 = arith.constant 0 : i32
    %dma_start3A_600 = arith.constant 0 : i32
    %dma_start3A_601 = tpu.memref_slice %arg6[%dma_start3A_590, %dma_start3A_599, %dma_start3A_600] : memref<7x16x1024xf32, #tpu.memory_space<vmem>> -> memref<1x16x1024xf32, #tpu.memory_space<vmem>>
    %dma_start3A_602 = tpu.memref_squeeze %dma_start3A_601 : memref<1x16x1024xf32, #tpu.memory_space<vmem>> -> memref<16x1024xf32, #tpu.memory_space<vmem>>
    tpu.enqueue_dma source(%dma_start3A_602 : memref<16x1024xf32, #tpu.memory_space<vmem>>) target(%dma_start3A_598 : memref<16x1024xf32, #tpu.memory_space<hbm>>) target_semaphore(%arg19 : memref<!tpu.dma_semaphore, #tpu.memory_space<semaphore_mem>>)
    %dma_wait3A_603 = arith.constant 6 : i32
    %dma_wait3A_604 = arith.constant 0 : i32
    %dma_wait3A_605 = arith.constant 0 : i32
    %dma_wait3A_606 = tpu.memref_slice %arg6[%dma_wait3A_603, %dma_wait3A_604, %dma_wait3A_605] : memref<7x16x1024xf32, #tpu.memory_space<vmem>> -> memref<1x16x1024xf32, #tpu.memory_space<vmem>>
    %dma_wait3A_607 = tpu.memref_squeeze %dma_wait3A_606 : memref<1x16x1024xf32, #tpu.memory_space<vmem>> -> memref<16x1024xf32, #tpu.memory_space<vmem>>
    %dma_wait3A_608 = arith.constant 208 : i32
    %dma_wait3A_609 = tpu.memref_slice %arg5[%dma_wait3A_608] : memref<256xi32, #tpu.memory_space<vmem>> -> memref<16xi32, #tpu.memory_space<vmem>>
    %dma_wait3A_610 = arith.constant 0 : i32
    %dma_wait3A_611 = arith.constant 0 : i32
    %dma_wait3A_612 = tpu.memref_slice %arg3[%dma_wait3A_610, %dma_wait3A_611] : memref<8192x1024xf32, #tpu.memory_space<hbm>> -> memref<8192x1024xf32, #tpu.memory_space<hbm>>
    tpu.wait_indirect_dma semaphore(%arg13 : memref<!tpu.dma_semaphore, #tpu.memory_space<semaphore_mem>>) src(%dma_wait3A_612 : memref<8192x1024xf32, #tpu.memory_space<hbm>>) dst(%dma_wait3A_607 : memref<16x1024xf32, #tpu.memory_space<vmem>>)
    %add3A_613 = arith.constant 208 : i32
    %add3A_614 = arith.addi %mul3A_2, %add3A_613 : i32
    %dma_start3A_615 = arith.constant 6 : i32
    %dma_start3A_616 = arith.constant 0 : i32
    %dma_start3A_617 = arith.constant 0 : i32
    %dma_start3A_618 = tpu.memref_slice %arg6[%dma_start3A_615, %dma_start3A_616, %dma_start3A_617] : memref<7x16x1024xf32, #tpu.memory_space<vmem>> -> memref<1x16x1024xf32, #tpu.memory_space<vmem>>
    %dma_start3A_619 = tpu.memref_squeeze %dma_start3A_618 : memref<1x16x1024xf32, #tpu.memory_space<vmem>> -> memref<16x1024xf32, #tpu.memory_space<vmem>>
    %dma_start3A_620 = arith.constant 0 : i32
    %dma_start3A_621 = tpu.memref_slice %arg4[%add3A_614, %dma_start3A_620] : memref<8192x1024xf32, #tpu.memory_space<hbm>> -> memref<16x1024xf32, #tpu.memory_space<hbm>>
    %dma_start3A_622 = arith.constant 0 : i32
    %dma_start3A_623 = tpu.memref_slice %arg4[%add3A_614, %dma_start3A_622] : memref<8192x1024xf32, #tpu.memory_space<hbm>> -> memref<16x1024xf32, #tpu.memory_space<hbm>>
    %dma_start3A_624 = arith.constant 0 : i32
    %dma_start3A_625 = arith.constant 0 : i32
    %dma_start3A_626 = tpu.memref_slice %arg6[%dma_start3A_615, %dma_start3A_624, %dma_start3A_625] : memref<7x16x1024xf32, #tpu.memory_space<vmem>> -> memref<1x16x1024xf32, #tpu.memory_space<vmem>>
    %dma_start3A_627 = tpu.memref_squeeze %dma_start3A_626 : memref<1x16x1024xf32, #tpu.memory_space<vmem>> -> memref<16x1024xf32, #tpu.memory_space<vmem>>
    tpu.enqueue_dma source(%dma_start3A_627 : memref<16x1024xf32, #tpu.memory_space<vmem>>) target(%dma_start3A_623 : memref<16x1024xf32, #tpu.memory_space<hbm>>) target_semaphore(%arg20 : memref<!tpu.dma_semaphore, #tpu.memory_space<semaphore_mem>>)
    %dma_wait3A_628 = arith.constant 0 : i32
    %dma_wait3A_629 = arith.constant 0 : i32
    %dma_wait3A_630 = arith.constant 0 : i32
    %dma_wait3A_631 = tpu.memref_slice %arg6[%dma_wait3A_628, %dma_wait3A_629, %dma_wait3A_630] : memref<7x16x1024xf32, #tpu.memory_space<vmem>> -> memref<1x16x1024xf32, #tpu.memory_space<vmem>>
    %dma_wait3A_632 = tpu.memref_squeeze %dma_wait3A_631 : memref<1x16x1024xf32, #tpu.memory_space<vmem>> -> memref<16x1024xf32, #tpu.memory_space<vmem>>
    %dma_wait3A_633 = arith.constant 224 : i32
    %dma_wait3A_634 = tpu.memref_slice %arg5[%dma_wait3A_633] : memref<256xi32, #tpu.memory_space<vmem>> -> memref<16xi32, #tpu.memory_space<vmem>>
    %dma_wait3A_635 = arith.constant 0 : i32
    %dma_wait3A_636 = arith.constant 0 : i32
    %dma_wait3A_637 = tpu.memref_slice %arg3[%dma_wait3A_635, %dma_wait3A_636] : memref<8192x1024xf32, #tpu.memory_space<hbm>> -> memref<8192x1024xf32, #tpu.memory_space<hbm>>
    tpu.wait_indirect_dma semaphore(%arg7 : memref<!tpu.dma_semaphore, #tpu.memory_space<semaphore_mem>>) src(%dma_wait3A_637 : memref<8192x1024xf32, #tpu.memory_space<hbm>>) dst(%dma_wait3A_632 : memref<16x1024xf32, #tpu.memory_space<vmem>>)
    %add3A_638 = arith.constant 224 : i32
    %add3A_639 = arith.addi %mul3A_2, %add3A_638 : i32
    %dma_start3A_640 = arith.constant 0 : i32
    %dma_start3A_641 = arith.constant 0 : i32
    %dma_start3A_642 = arith.constant 0 : i32
    %dma_start3A_643 = tpu.memref_slice %arg6[%dma_start3A_640, %dma_start3A_641, %dma_start3A_642] : memref<7x16x1024xf32, #tpu.memory_space<vmem>> -> memref<1x16x1024xf32, #tpu.memory_space<vmem>>
    %dma_start3A_644 = tpu.memref_squeeze %dma_start3A_643 : memref<1x16x1024xf32, #tpu.memory_space<vmem>> -> memref<16x1024xf32, #tpu.memory_space<vmem>>
    %dma_start3A_645 = arith.constant 0 : i32
    %dma_start3A_646 = tpu.memref_slice %arg4[%add3A_639, %dma_start3A_645] : memref<8192x1024xf32, #tpu.memory_space<hbm>> -> memref<16x1024xf32, #tpu.memory_space<hbm>>
    %dma_start3A_647 = arith.constant 0 : i32
    %dma_start3A_648 = tpu.memref_slice %arg4[%add3A_639, %dma_start3A_647] : memref<8192x1024xf32, #tpu.memory_space<hbm>> -> memref<16x1024xf32, #tpu.memory_space<hbm>>
    %dma_start3A_649 = arith.constant 0 : i32
    %dma_start3A_650 = arith.constant 0 : i32
    %dma_start3A_651 = tpu.memref_slice %arg6[%dma_start3A_640, %dma_start3A_649, %dma_start3A_650] : memref<7x16x1024xf32, #tpu.memory_space<vmem>> -> memref<1x16x1024xf32, #tpu.memory_space<vmem>>
    %dma_start3A_652 = tpu.memref_squeeze %dma_start3A_651 : memref<1x16x1024xf32, #tpu.memory_space<vmem>> -> memref<16x1024xf32, #tpu.memory_space<vmem>>
    tpu.enqueue_dma source(%dma_start3A_652 : memref<16x1024xf32, #tpu.memory_space<vmem>>) target(%dma_start3A_648 : memref<16x1024xf32, #tpu.memory_space<hbm>>) target_semaphore(%arg14 : memref<!tpu.dma_semaphore, #tpu.memory_space<semaphore_mem>>)
    %dma_wait3A_653 = arith.constant 1 : i32
    %dma_wait3A_654 = arith.constant 0 : i32
    %dma_wait3A_655 = arith.constant 0 : i32
    %dma_wait3A_656 = tpu.memref_slice %arg6[%dma_wait3A_653, %dma_wait3A_654, %dma_wait3A_655] : memref<7x16x1024xf32, #tpu.memory_space<vmem>> -> memref<1x16x1024xf32, #tpu.memory_space<vmem>>
    %dma_wait3A_657 = tpu.memref_squeeze %dma_wait3A_656 : memref<1x16x1024xf32, #tpu.memory_space<vmem>> -> memref<16x1024xf32, #tpu.memory_space<vmem>>
    %dma_wait3A_658 = arith.constant 240 : i32
    %dma_wait3A_659 = tpu.memref_slice %arg5[%dma_wait3A_658] : memref<256xi32, #tpu.memory_space<vmem>> -> memref<16xi32, #tpu.memory_space<vmem>>
    %dma_wait3A_660 = arith.constant 0 : i32
    %dma_wait3A_661 = arith.constant 0 : i32
    %dma_wait3A_662 = tpu.memref_slice %arg3[%dma_wait3A_660, %dma_wait3A_661] : memref<8192x1024xf32, #tpu.memory_space<hbm>> -> memref<8192x1024xf32, #tpu.memory_space<hbm>>
    tpu.wait_indirect_dma semaphore(%arg8 : memref<!tpu.dma_semaphore, #tpu.memory_space<semaphore_mem>>) src(%dma_wait3A_662 : memref<8192x1024xf32, #tpu.memory_space<hbm>>) dst(%dma_wait3A_657 : memref<16x1024xf32, #tpu.memory_space<vmem>>)
    %add3A_663 = arith.constant 240 : i32
    %add3A_664 = arith.addi %mul3A_2, %add3A_663 : i32
    %dma_start3A_665 = arith.constant 1 : i32
    %dma_start3A_666 = arith.constant 0 : i32
    %dma_start3A_667 = arith.constant 0 : i32
    %dma_start3A_668 = tpu.memref_slice %arg6[%dma_start3A_665, %dma_start3A_666, %dma_start3A_667] : memref<7x16x1024xf32, #tpu.memory_space<vmem>> -> memref<1x16x1024xf32, #tpu.memory_space<vmem>>
    %dma_start3A_669 = tpu.memref_squeeze %dma_start3A_668 : memref<1x16x1024xf32, #tpu.memory_space<vmem>> -> memref<16x1024xf32, #tpu.memory_space<vmem>>
    %dma_start3A_670 = arith.constant 0 : i32
    %dma_start3A_671 = tpu.memref_slice %arg4[%add3A_664, %dma_start3A_670] : memref<8192x1024xf32, #tpu.memory_space<hbm>> -> memref<16x1024xf32, #tpu.memory_space<hbm>>
    %dma_start3A_672 = arith.constant 0 : i32
    %dma_start3A_673 = tpu.memref_slice %arg4[%add3A_664, %dma_start3A_672] : memref<8192x1024xf32, #tpu.memory_space<hbm>> -> memref<16x1024xf32, #tpu.memory_space<hbm>>
    %dma_start3A_674 = arith.constant 0 : i32
    %dma_start3A_675 = arith.constant 0 : i32
    %dma_start3A_676 = tpu.memref_slice %arg6[%dma_start3A_665, %dma_start3A_674, %dma_start3A_675] : memref<7x16x1024xf32, #tpu.memory_space<vmem>> -> memref<1x16x1024xf32, #tpu.memory_space<vmem>>
    %dma_start3A_677 = tpu.memref_squeeze %dma_start3A_676 : memref<1x16x1024xf32, #tpu.memory_space<vmem>> -> memref<16x1024xf32, #tpu.memory_space<vmem>>
    tpu.enqueue_dma source(%dma_start3A_677 : memref<16x1024xf32, #tpu.memory_space<vmem>>) target(%dma_start3A_673 : memref<16x1024xf32, #tpu.memory_space<hbm>>) target_semaphore(%arg15 : memref<!tpu.dma_semaphore, #tpu.memory_space<semaphore_mem>>)
    %dma_wait3A_678 = arith.constant 2 : i32
    %dma_wait3A_679 = arith.constant 0 : i32
    %dma_wait3A_680 = arith.constant 0 : i32
    %dma_wait3A_681 = tpu.memref_slice %arg6[%dma_wait3A_678, %dma_wait3A_679, %dma_wait3A_680] : memref<7x16x1024xf32, #tpu.memory_space<vmem>> -> memref<1x16x1024xf32, #tpu.memory_space<vmem>>
    %dma_wait3A_682 = tpu.memref_squeeze %dma_wait3A_681 : memref<1x16x1024xf32, #tpu.memory_space<vmem>> -> memref<16x1024xf32, #tpu.memory_space<vmem>>
    %dma_wait3A_683 = arith.constant 0 : i32
    %dma_wait3A_684 = tpu.memref_slice %arg4[%add3A_468, %dma_wait3A_683] : memref<8192x1024xf32, #tpu.memory_space<hbm>> -> memref<16x1024xf32, #tpu.memory_space<hbm>>
    %dma_wait3A_685 = arith.constant 0 : i32
    %dma_wait3A_686 = tpu.memref_slice %arg4[%add3A_468, %dma_wait3A_685] : memref<8192x1024xf32, #tpu.memory_space<hbm>> -> memref<16x1024xf32, #tpu.memory_space<hbm>>
    %dma_wait3A_687 = arith.constant 0 : i32
    %dma_wait3A_688 = arith.constant 0 : i32
    %dma_wait3A_689 = tpu.memref_slice %arg6[%dma_wait3A_678, %dma_wait3A_687, %dma_wait3A_688] : memref<7x16x1024xf32, #tpu.memory_space<vmem>> -> memref<1x16x1024xf32, #tpu.memory_space<vmem>>
    %dma_wait3A_690 = tpu.memref_squeeze %dma_wait3A_689 : memref<1x16x1024xf32, #tpu.memory_space<vmem>> -> memref<16x1024xf32, #tpu.memory_space<vmem>>
    tpu.wait_dma2 semaphore(%arg16 : memref<!tpu.dma_semaphore, #tpu.memory_space<semaphore_mem>>) src(%dma_wait3A_690 : memref<16x1024xf32, #tpu.memory_space<vmem>>) dst(%dma_wait3A_686 : memref<16x1024xf32, #tpu.memory_space<hbm>>)
    %dma_wait3A_691 = arith.constant 3 : i32
    %dma_wait3A_692 = arith.constant 0 : i32
    %dma_wait3A_693 = arith.constant 0 : i32
    %dma_wait3A_694 = tpu.memref_slice %arg6[%dma_wait3A_691, %dma_wait3A_692, %dma_wait3A_693] : memref<7x16x1024xf32, #tpu.memory_space<vmem>> -> memref<1x16x1024xf32, #tpu.memory_space<vmem>>
    %dma_wait3A_695 = tpu.memref_squeeze %dma_wait3A_694 : memref<1x16x1024xf32, #tpu.memory_space<vmem>> -> memref<16x1024xf32, #tpu.memory_space<vmem>>
    %dma_wait3A_696 = arith.constant 0 : i32
    %dma_wait3A_697 = tpu.memref_slice %arg4[%add3A_516, %dma_wait3A_696] : memref<8192x1024xf32, #tpu.memory_space<hbm>> -> memref<16x1024xf32, #tpu.memory_space<hbm>>
    %dma_wait3A_698 = arith.constant 0 : i32
    %dma_wait3A_699 = tpu.memref_slice %arg4[%add3A_516, %dma_wait3A_698] : memref<8192x1024xf32, #tpu.memory_space<hbm>> -> memref<16x1024xf32, #tpu.memory_space<hbm>>
    %dma_wait3A_700 = arith.constant 0 : i32
    %dma_wait3A_701 = arith.constant 0 : i32
    %dma_wait3A_702 = tpu.memref_slice %arg6[%dma_wait3A_691, %dma_wait3A_700, %dma_wait3A_701] : memref<7x16x1024xf32, #tpu.memory_space<vmem>> -> memref<1x16x1024xf32, #tpu.memory_space<vmem>>
    %dma_wait3A_703 = tpu.memref_squeeze %dma_wait3A_702 : memref<1x16x1024xf32, #tpu.memory_space<vmem>> -> memref<16x1024xf32, #tpu.memory_space<vmem>>
    tpu.wait_dma2 semaphore(%arg17 : memref<!tpu.dma_semaphore, #tpu.memory_space<semaphore_mem>>) src(%dma_wait3A_703 : memref<16x1024xf32, #tpu.memory_space<vmem>>) dst(%dma_wait3A_699 : memref<16x1024xf32, #tpu.memory_space<hbm>>)
    %dma_wait3A_704 = arith.constant 4 : i32
    %dma_wait3A_705 = arith.constant 0 : i32
    %dma_wait3A_706 = arith.constant 0 : i32
    %dma_wait3A_707 = tpu.memref_slice %arg6[%dma_wait3A_704, %dma_wait3A_705, %dma_wait3A_706] : memref<7x16x1024xf32, #tpu.memory_space<vmem>> -> memref<1x16x1024xf32, #tpu.memory_space<vmem>>
    %dma_wait3A_708 = tpu.memref_squeeze %dma_wait3A_707 : memref<1x16x1024xf32, #tpu.memory_space<vmem>> -> memref<16x1024xf32, #tpu.memory_space<vmem>>
    %dma_wait3A_709 = arith.constant 0 : i32
    %dma_wait3A_710 = tpu.memref_slice %arg4[%add3A_564, %dma_wait3A_709] : memref<8192x1024xf32, #tpu.memory_space<hbm>> -> memref<16x1024xf32, #tpu.memory_space<hbm>>
    %dma_wait3A_711 = arith.constant 0 : i32
    %dma_wait3A_712 = tpu.memref_slice %arg4[%add3A_564, %dma_wait3A_711] : memref<8192x1024xf32, #tpu.memory_space<hbm>> -> memref<16x1024xf32, #tpu.memory_space<hbm>>
    %dma_wait3A_713 = arith.constant 0 : i32
    %dma_wait3A_714 = arith.constant 0 : i32
    %dma_wait3A_715 = tpu.memref_slice %arg6[%dma_wait3A_704, %dma_wait3A_713, %dma_wait3A_714] : memref<7x16x1024xf32, #tpu.memory_space<vmem>> -> memref<1x16x1024xf32, #tpu.memory_space<vmem>>
    %dma_wait3A_716 = tpu.memref_squeeze %dma_wait3A_715 : memref<1x16x1024xf32, #tpu.memory_space<vmem>> -> memref<16x1024xf32, #tpu.memory_space<vmem>>
    tpu.wait_dma2 semaphore(%arg18 : memref<!tpu.dma_semaphore, #tpu.memory_space<semaphore_mem>>) src(%dma_wait3A_716 : memref<16x1024xf32, #tpu.memory_space<vmem>>) dst(%dma_wait3A_712 : memref<16x1024xf32, #tpu.memory_space<hbm>>)
    %dma_wait3A_717 = arith.constant 5 : i32
    %dma_wait3A_718 = arith.constant 0 : i32
    %dma_wait3A_719 = arith.constant 0 : i32
    %dma_wait3A_720 = tpu.memref_slice %arg6[%dma_wait3A_717, %dma_wait3A_718, %dma_wait3A_719] : memref<7x16x1024xf32, #tpu.memory_space<vmem>> -> memref<1x16x1024xf32, #tpu.memory_space<vmem>>
    %dma_wait3A_721 = tpu.memref_squeeze %dma_wait3A_720 : memref<1x16x1024xf32, #tpu.memory_space<vmem>> -> memref<16x1024xf32, #tpu.memory_space<vmem>>
    %dma_wait3A_722 = arith.constant 0 : i32
    %dma_wait3A_723 = tpu.memref_slice %arg4[%add3A_589, %dma_wait3A_722] : memref<8192x1024xf32, #tpu.memory_space<hbm>> -> memref<16x1024xf32, #tpu.memory_space<hbm>>
    %dma_wait3A_724 = arith.constant 0 : i32
    %dma_wait3A_725 = tpu.memref_slice %arg4[%add3A_589, %dma_wait3A_724] : memref<8192x1024xf32, #tpu.memory_space<hbm>> -> memref<16x1024xf32, #tpu.memory_space<hbm>>
    %dma_wait3A_726 = arith.constant 0 : i32
    %dma_wait3A_727 = arith.constant 0 : i32
    %dma_wait3A_728 = tpu.memref_slice %arg6[%dma_wait3A_717, %dma_wait3A_726, %dma_wait3A_727] : memref<7x16x1024xf32, #tpu.memory_space<vmem>> -> memref<1x16x1024xf32, #tpu.memory_space<vmem>>
    %dma_wait3A_729 = tpu.memref_squeeze %dma_wait3A_728 : memref<1x16x1024xf32, #tpu.memory_space<vmem>> -> memref<16x1024xf32, #tpu.memory_space<vmem>>
    tpu.wait_dma2 semaphore(%arg19 : memref<!tpu.dma_semaphore, #tpu.memory_space<semaphore_mem>>) src(%dma_wait3A_729 : memref<16x1024xf32, #tpu.memory_space<vmem>>) dst(%dma_wait3A_725 : memref<16x1024xf32, #tpu.memory_space<hbm>>)
    %dma_wait3A_730 = arith.constant 6 : i32
    %dma_wait3A_731 = arith.constant 0 : i32
    %dma_wait3A_732 = arith.constant 0 : i32
    %dma_wait3A_733 = tpu.memref_slice %arg6[%dma_wait3A_730, %dma_wait3A_731, %dma_wait3A_732] : memref<7x16x1024xf32, #tpu.memory_space<vmem>> -> memref<1x16x1024xf32, #tpu.memory_space<vmem>>
    %dma_wait3A_734 = tpu.memref_squeeze %dma_wait3A_733 : memref<1x16x1024xf32, #tpu.memory_space<vmem>> -> memref<16x1024xf32, #tpu.memory_space<vmem>>
    %dma_wait3A_735 = arith.constant 0 : i32
    %dma_wait3A_736 = tpu.memref_slice %arg4[%add3A_614, %dma_wait3A_735] : memref<8192x1024xf32, #tpu.memory_space<hbm>> -> memref<16x1024xf32, #tpu.memory_space<hbm>>
    %dma_wait3A_737 = arith.constant 0 : i32
    %dma_wait3A_738 = tpu.memref_slice %arg4[%add3A_614, %dma_wait3A_737] : memref<8192x1024xf32, #tpu.memory_space<hbm>> -> memref<16x1024xf32, #tpu.memory_space<hbm>>
    %dma_wait3A_739 = arith.constant 0 : i32
    %dma_wait3A_740 = arith.constant 0 : i32
    %dma_wait3A_741 = tpu.memref_slice %arg6[%dma_wait3A_730, %dma_wait3A_739, %dma_wait3A_740] : memref<7x16x1024xf32, #tpu.memory_space<vmem>> -> memref<1x16x1024xf32, #tpu.memory_space<vmem>>
    %dma_wait3A_742 = tpu.memref_squeeze %dma_wait3A_741 : memref<1x16x1024xf32, #tpu.memory_space<vmem>> -> memref<16x1024xf32, #tpu.memory_space<vmem>>
    tpu.wait_dma2 semaphore(%arg20 : memref<!tpu.dma_semaphore, #tpu.memory_space<semaphore_mem>>) src(%dma_wait3A_742 : memref<16x1024xf32, #tpu.memory_space<vmem>>) dst(%dma_wait3A_738 : memref<16x1024xf32, #tpu.memory_space<hbm>>)
    %dma_wait3A_743 = arith.constant 0 : i32
    %dma_wait3A_744 = arith.constant 0 : i32
    %dma_wait3A_745 = arith.constant 0 : i32
    %dma_wait3A_746 = tpu.memref_slice %arg6[%dma_wait3A_743, %dma_wait3A_744, %dma_wait3A_745] : memref<7x16x1024xf32, #tpu.memory_space<vmem>> -> memref<1x16x1024xf32, #tpu.memory_space<vmem>>
    %dma_wait3A_747 = tpu.memref_squeeze %dma_wait3A_746 : memref<1x16x1024xf32, #tpu.memory_space<vmem>> -> memref<16x1024xf32, #tpu.memory_space<vmem>>
    %dma_wait3A_748 = arith.constant 0 : i32
    %dma_wait3A_749 = tpu.memref_slice %arg4[%add3A_639, %dma_wait3A_748] : memref<8192x1024xf32, #tpu.memory_space<hbm>> -> memref<16x1024xf32, #tpu.memory_space<hbm>>
    %dma_wait3A_750 = arith.constant 0 : i32
    %dma_wait3A_751 = tpu.memref_slice %arg4[%add3A_639, %dma_wait3A_750] : memref<8192x1024xf32, #tpu.memory_space<hbm>> -> memref<16x1024xf32, #tpu.memory_space<hbm>>
    %dma_wait3A_752 = arith.constant 0 : i32
    %dma_wait3A_753 = arith.constant 0 : i32
    %dma_wait3A_754 = tpu.memref_slice %arg6[%dma_wait3A_743, %dma_wait3A_752, %dma_wait3A_753] : memref<7x16x1024xf32, #tpu.memory_space<vmem>> -> memref<1x16x1024xf32, #tpu.memory_space<vmem>>
    %dma_wait3A_755 = tpu.memref_squeeze %dma_wait3A_754 : memref<1x16x1024xf32, #tpu.memory_space<vmem>> -> memref<16x1024xf32, #tpu.memory_space<vmem>>
    tpu.wait_dma2 semaphore(%arg14 : memref<!tpu.dma_semaphore, #tpu.memory_space<semaphore_mem>>) src(%dma_wait3A_755 : memref<16x1024xf32, #tpu.memory_space<vmem>>) dst(%dma_wait3A_751 : memref<16x1024xf32, #tpu.memory_space<hbm>>)
    %dma_wait3A_756 = arith.constant 1 : i32
    %dma_wait3A_757 = arith.constant 0 : i32
    %dma_wait3A_758 = arith.constant 0 : i32
    %dma_wait3A_759 = tpu.memref_slice %arg6[%dma_wait3A_756, %dma_wait3A_757, %dma_wait3A_758] : memref<7x16x1024xf32, #tpu.memory_space<vmem>> -> memref<1x16x1024xf32, #tpu.memory_space<vmem>>
    %dma_wait3A_760 = tpu.memref_squeeze %dma_wait3A_759 : memref<1x16x1024xf32, #tpu.memory_space<vmem>> -> memref<16x1024xf32, #tpu.memory_space<vmem>>
    %dma_wait3A_761 = arith.constant 0 : i32
    %dma_wait3A_762 = tpu.memref_slice %arg4[%add3A_664, %dma_wait3A_761] : memref<8192x1024xf32, #tpu.memory_space<hbm>> -> memref<16x1024xf32, #tpu.memory_space<hbm>>
    %dma_wait3A_763 = arith.constant 0 : i32
    %dma_wait3A_764 = tpu.memref_slice %arg4[%add3A_664, %dma_wait3A_763] : memref<8192x1024xf32, #tpu.memory_space<hbm>> -> memref<16x1024xf32, #tpu.memory_space<hbm>>
    %dma_wait3A_765 = arith.constant 0 : i32
    %dma_wait3A_766 = arith.constant 0 : i32
    %dma_wait3A_767 = tpu.memref_slice %arg6[%dma_wait3A_756, %dma_wait3A_765, %dma_wait3A_766] : memref<7x16x1024xf32, #tpu.memory_space<vmem>> -> memref<1x16x1024xf32, #tpu.memory_space<vmem>>
    %dma_wait3A_768 = tpu.memref_squeeze %dma_wait3A_767 : memref<1x16x1024xf32, #tpu.memory_space<vmem>> -> memref<16x1024xf32, #tpu.memory_space<vmem>>
    tpu.wait_dma2 semaphore(%arg15 : memref<!tpu.dma_semaphore, #tpu.memory_space<semaphore_mem>>) src(%dma_wait3A_768 : memref<16x1024xf32, #tpu.memory_space<vmem>>) dst(%dma_wait3A_764 : memref<16x1024xf32, #tpu.memory_space<hbm>>)
    return
  }
}

</mosaic_0001>

<sc_bundles>
// kernel: _gather.3.cloned.1.call-start
scs
__scs_entry_jumppad:
0x0: {  	(pc) =	sbr.rel $0x88, $3  }
0x1: {  	(tag) =	ssettag $0x0;
	lr =	simm.s32 $0x1  }
0x2: {  	[smem:$0x3F9F] =	sst lr;
	_ =	strace $0xD0000000  }
0x3: {  	_ = 	snop  }
0x4: {  	_ = 	snop  }
0x5: {  	_ = 	snop  }
0x6: {  	_ = 	snop  }
0x7: {  	_ = 	snop  }
__scs_overlays_trampoline_lowered:
0x8: {  	[smem:$0x3FAE] =	sst s0  }
0x9: {  	[smem:$0x3FAF] =	sst s1  }
0xa: {  	[smem:$0x3FB0] =	sst s2  }
0xb: {  	[smem:$0x3FB1] =	sst s3  }
0xc: {  	[smem:$0x3FB2] =	sst s4  }
0xd: {  	[smem:$0x3FB3] =	sst s5  }
0xe: {  	[smem:$0x3FB4] =	sst s6  }
0xf: {  	[smem:$0x3FB5] =	sst s7  }
0x10: {  	[smem:$0x3FB6] =	sst s8  }
0x11: {  	[smem:$0x3FB7] =	sst s9;
	s0 =	simm.s32 @!p0 $0x0  }
0x12: {  	s1 =	sld [smem:$0x3F9D];
	s0 =	simm.s32 @p0 $0x1  }
0x13: {  	[smem:$0x3FB8] =	sst s0;
	s0 =	simm.s32 @!p1 $0x0  }
0x14: {  	s2 =	sld [smem:$0x3F9C];
	s0 =	simm.s32 @p1 $0x1  }
0x15: {  	[smem:$0x3FB9] =	sst s0;
	s0 =	simm.s32 @!p2 $0x0  }
0x16: {  	s3 =	sld [smem:$0x3FDB];
	s0 =	simm.s32 @p2 $0x1  }
0x17: {  	s4 =	simm.s32 $0x1BF5;
	[smem:$0x3FBB] =	sst s0  }
0x18: {  	s0 =	sld [smem:$0x3F9E];
	_ =	swait.ge [sflag:s4], $0x0  }
0x19: {  	s7 =	sld [smem:$0x3F9F]  }
0x1a: {  	s8 =	sadd.s32 $0xFFFFE003, lr  }
0x1b: {  	s9 =	sadd.s32 $0xFFFFFEF7, lr;
	s5 =	simm.s32 $0xFFFFFFFF;
	p2 =	slt.u32 s8, $0xFFFFF086  }
0x1c: {  	p1 =	slt.u32 s9, $0xF7A;
	s5 =	simm.s32 @!p2 $0x0  }
0x1d: {  	s5 =	simm.s32 @p1 $0x1;
	p0 =	seq.s32 s7, s2  }
0x1e: {  	s7 =	smul.u32 @!p0 $0xF7A, s2;
	p2 =	seq.s32 @!p0 s5, $0x0  }
0x1f: {  	s9 =	smul.u32 $0xF7A, s1;
	s8 =	simm.s32 @!p0 $0x1BF5;
	p2 =	por !p2, p0  }
0x20: {  	[sflag:s8] =	ssyncset.s32 @!p0 $0xFFFFF086;
	s6 =	sadd.s32 @!p0 s3, s7;
	s7 =	simm.s32 @!p0 $0x108  }
0x21: {  	s3 =	sadd.s32 s3, s9;
	s6 =	sadd.s32 @!p0 $0x88, s6;
	s7 =	simm.s32 @p2 $0x1082  }
0x22: {  	[simem:s7], [sflag:s8] =	dma.local @!p0 [hbm:s6], $0xF7A  }
0x23: {  	s9 =	sor.u32 $0xD0000000, s2;
	s6 =	simm.s32 $0x108;
	_ =	swait.ge @!p0 [sflag:s8], $0x0  }
0x24: {  	s3 =	sadd.s32 $0x88, s3;
	s6 =	simm.s32 @!p1 $0x1082;
	[sflag:s4] =	ssyncset.s32 $0xFFFFF086  }
0x25: {  	[simem:s6], [sflag:s4] =	dma.local [hbm:s3], $0xF7A  }
0x26: {  	[smem:$0x3F9F] =	sst s1;
	(tag) =	ssettag s2;
	_ =	strace s9  }
0x27: {  	s1 =	sld [smem:$0x3FAF]  }
0x28: {  	s2 =	sld [smem:$0x3FB0]  }
0x29: {  	s4 =	sld [smem:$0x3FB2]  }
0x2a: {  	p0 =	seq.s32 s5, $0x0;
	s5 =	sld [smem:$0x3FB3]  }
0x2b: {  	s6 =	sld [smem:$0x3FB4]  }
0x2c: {  	s7 =	sld [smem:$0x3FB5]  }
0x2d: {  	s3 =	simm.s32 $0x108;
	s8 =	sld [smem:$0x3FB6]  }
0x2e: {  	s3 =	simm.s32 @!p0 $0x1082;
	s9 =	sld [smem:$0x3FB7]  }
0x2f: {  	lr =	sadd.s32 s0, s3;
	s0 =	sld [smem:$0x3FAE]  }
0x30: {  	s3 =	sld [smem:$0x3FB1]  }
0x31: {  	[smem:$0x3FBA] =	sst s10  }
0x32: {  	s10 =	sld [smem:$0x3FB8];
	_ =	sdelay $0x3  }
0x33: {  	p0 =	seq.s32 s10, $0x1;
	s10 =	sld [smem:$0x3FBA];
	_ =	sdelay $0x3  }
0x34: {  	[smem:$0x3FBA] =	sst s10  }
0x35: {  	s10 =	sld [smem:$0x3FB9];
	_ =	sdelay $0x3  }
0x36: {  	p1 =	seq.s32 s10, $0x1;
	s10 =	sld [smem:$0x3FBA];
	_ =	sdelay $0x3  }
0x37: {  	[smem:$0x3FBA] =	sst s10  }
0x38: {  	s10 =	sld [smem:$0x3FBB]  }
0x39: {  	_ = 	snop;
	(pc) =	sbr.ind lr, $3  }
0x3a: {  	_ = 	snop  }
0x3b: {  	_ = 	snop  }
0x3c: {  	p2 =	seq.s32 s10, $0x1;
	s10 =	sld [smem:$0x3FBA]  }
0x3d: {  	_ =	shalt  }
0x3e: {  	_ =	shalt  }
0x3f: {  	_ =	shalt  }
0x40: {  	_ =	shalt  }
0x41: {  	_ =	shalt  }
0x42: {  	_ =	shalt  }
0x43: {  	_ =	shalt  }
0x44: {  	_ =	shalt  }
0x45: {  	_ =	shalt  }
0x46: {  	_ =	shalt  }
0x47: {  	_ =	shalt  }
0x48: {  	_ =	shalt  }
0x49: {  	_ =	shalt  }
0x4a: {  	_ =	shalt  }
0x4b: {  	_ =	shalt  }
0x4c: {  	_ =	shalt  }
0x4d: {  	_ =	shalt  }
0x4e: {  	_ =	shalt  }
0x4f: {  	_ =	shalt  }
0x50: {  	_ =	shalt  }
0x51: {  	_ =	shalt  }
0x52: {  	_ =	shalt  }
0x53: {  	_ =	shalt  }
0x54: {  	_ =	shalt  }
0x55: {  	_ =	shalt  }
0x56: {  	_ =	shalt  }
0x57: {  	_ =	shalt  }
0x58: {  	_ =	shalt  }
0x59: {  	_ =	shalt  }
0x5a: {  	_ =	shalt  }
0x5b: {  	_ =	shalt  }
0x5c: {  	_ =	shalt  }
0x5d: {  	_ =	shalt  }
0x5e: {  	_ =	shalt  }
0x5f: {  	_ =	shalt  }
0x60: {  	_ =	shalt  }
0x61: {  	_ =	shalt  }
0x62: {  	_ =	shalt  }
0x63: {  	_ =	shalt  }
0x64: {  	_ =	shalt  }
0x65: {  	_ =	shalt  }
0x66: {  	_ =	shalt  }
0x67: {  	_ =	shalt  }
0x68: {  	_ =	shalt  }
0x69: {  	_ =	shalt  }
0x6a: {  	_ =	shalt  }
0x6b: {  	_ =	shalt  }
0x6c: {  	_ =	shalt  }
0x6d: {  	_ =	shalt  }
0x6e: {  	_ =	shalt  }
0x6f: {  	_ =	shalt  }
0x70: {  	_ =	shalt  }
0x71: {  	_ =	shalt  }
0x72: {  	_ =	shalt  }
0x73: {  	_ =	shalt  }
0x74: {  	_ =	shalt  }
0x75: {  	_ =	shalt  }
0x76: {  	_ =	shalt  }
0x77: {  	_ =	shalt  }
0x78: {  	_ =	shalt  }
0x79: {  	_ =	shalt  }
0x7a: {  	_ =	shalt  }
0x7b: {  	_ =	shalt  }
0x7c: {  	_ =	shalt  }
0x7d: {  	_ =	shalt  }
0x7e: {  	_ =	shalt  }
0x7f: {  	_ =	shalt  }
0x80: {  	_ =	shalt  }
0x81: {  	_ =	shalt  }
0x82: {  	_ =	shalt  }
0x83: {  	_ =	shalt  }
0x84: {  	_ =	shalt  }
0x85: {  	_ =	shalt  }
0x86: {  	_ =	shalt  }
0x87: {  	_ =	shalt  }
.Lfunc_end0:
.L_simem_size_0:
called_computation_lowered:
.L_overlay_start_0:
0x88: {  	s2 =	sld [smem:$0x3FD9]  }
0x89: {  	s3 =	sld [smem:$0x3FFE];
	_ =	sdelay $0x1  }
0x8a: {  	s1 =	srdreg.scid  }
0x8b: {  	s0 =	sand.u32 $0x1, s1  }
0x8c: {  	s18 =	sshll.u32 s0, $0xA;
	s2 =	sadd.s32 s3, s2  }
0x8d: {  	s2 =	sadd.s32 s2, s18  }
0x8e: {  	[smem:$0x3FC6] =	sst s2  }
0x8f: {  	_ = 	snop  }
0x90: {  	s2 =	sld [smem:$0x3FC9]  }
0x91: {  	s19 =	sld [smem:$0x3FC8]  }
0x92: {  	s4 =	sld [smem:$0x3FD0];
	(tm) =	ssettm $0x1  }
0x93: {  	s5 =	sld [smem:$0x3FFB];
	_ =	sdelay $0x3  }
0x94: {  	_ =	strace s5  }
0x95: {  	s5 =	sld [smem:$0x3FFC];
	_ =	sdelay $0x3  }
0x96: {  	_ =	strace s5  }
0x97: {  	s5 =	sld [smem:$0x3FFD];
	_ =	sdelay $0x3  }
0x98: {  	_ =	strace s5  }
0x99: {  	_ =	strace $0x8FFFFFFF  }
0x9a: {  	s20 =	sld [smem:$0x3FDB];
	_ =	sdelay $0x1  }
0x9b: {  	s6 =	simm.s32 $_scs_section_size  }
0x9c: {  	s7 =	simm.s32 $_size__tile_overlayer_lowered;
	s8 =	simm.s32 $_tile_overlayer_lowered  }
0x9d: {  	s23 =	simm.s32 $0x1BFF;
	s22 =	sshll.u32 s8, $0x1;
	s5 =	sadd.s32 s6, s20  }
0x9e: {  	s9 =	simm.s32 $0x0;
	s21 =	sshll.u32 s7, $0x1;
	s7 =	sadd.s32 s22, s5  }
0x9f: {  	[timem:s9], [sflag:s23] =	dma.local [hbm:s7], s21  }
0xa0: {  	_ =	swait.ge [sflag:s23], s21  }
0xa1: {  	s6 =	ssub.s32 $0x0, s21;
	[sflag:s23] =	ssyncset.done $0x0  }
0xa2: {  	[sflag:s23] =	ssyncadd.s32 s6;
	_ =	sdelay $0x1  }
0xa3: {  	s24 =	simm.s32 $0x1B8B  }
0xa4: {  	_ =	swait.ge [sflag:s24], $0x1  }
0xa5: {  	[sflag:s24] =	ssyncset.done $0x0  }
0xa6: {  	s25 =	simm.s32 $0x1B8E;
	[sflag:s24] =	ssyncadd.s32 $0xFFFFFFFF  }
0xa7: {  	s26 =	simm.s32 $execute0_lowered;
	[smem:$0x3FD2] =	sst s25  }
0xa8: {  	s6 =	sshll.u32 s26, $0x1;
	_ =	strace $0x80000046;
	[dreg:$0x1] =	wrdreg $0xFFFFFFFF  }
0xa9: {  	s28 =	simm.s32 $_size_execute0_lowered;
	s5 =	sadd.s32 s5, s6;
	[dreg:$0x0] =	wrdreg $0x0  }
0xaa: {  	s6 =	sshll.u32 s28, $0x1;
	[dreg:$0x2] =	wrdreg s5  }
0xab: {  	[dreg:$0x3] =	wrdreg s6  }
0xac: {  	[dreg:$0x4] =	wrdreg $0xC0  }
0xad: {  	_ =	task [dreg:s9], $0x5FFFF  }
0xae: {  	[dreg:$0x1] =	wrdreg $0xFFFFFFFF  }
0xaf: {  	[dreg:$0x0] =	wrdreg $0x60  }
0xb0: {  	[dreg:$0x2] =	wrdreg s2  }
0xb1: {  	[dreg:$0x3] =	wrdreg s19  }
0xb2: {  	[dreg:$0x4] =	wrdreg s4  }
0xb3: {  	[dreg:$0x5] =	wrdreg $0x9  }
0xb4: {  	_ =	task.clear_ibuf [dreg:s9], $0x6FFFF;
	_ =	strace $0x90000046  }
0xb5: {  	s29 =	simm.s32 $0x9;
	_ =	strace $0x80000048  }
0xb6: {  	_ =	swait.ge [sflag:s29], $0x1  }
0xb7: {  	[sflag:s29] =	ssyncadd.s32 $0xFFFFFFFF  }
0xb8: {  	_ =	strace $0x90000048  }
0xb9: {  	_ =	sfence  }
0xba: {  	s30 =	sld [smem:$0x0];
	_ =	sdelay $0x2  }
0xbb: {  	s31 =	sshll.u32 s1, $0xD;
	s1 =	sshrl.u32 s1, $0x2  }
0xbc: {  	s3 =	sand.u32 $0x4000, s31;
	s1 =	sadd.s32 s1, s30  }
0xbd: {  	s0 =	sor.u32 s3, s0;
	s1 =	sshll.u32 s1, $0x11  }
0xbe: {  	s0 =	sor.u32 s1, s0  }
0xbf: {  	s0 =	sadd.s32 $0x8F2B, s0  }
0xc0: {  	[sflag:s0] =	ssyncadd.remote.s32 $0x1  }
0xc1: {  	_ =	sfence.sel $0xFFFF  }
0xc2: {  	[dreg:$0x0] =	wrdreg $0xFFFFFFFF;
	(pc) =	sbr.abs _section_cstart, $3  }
0xc3: {  	[dreg:$0x1] =	wrdreg $0xFFFFFFFF  }
0xc4: {  	_ =	task.clear_ibuf [dreg:s9], $0x2FFFF;
	_ =	strace $0x9FFFFFFF  }
0xc5: {  	(tm) =	ssettm $0x7FFFFFFF  }
tec
execute0_lowered:
.L_overlay_start_1:
0x0: {  	(tag) =	ssettag $0x1  }
0x1: {  	s0 =	rddreg [dreg:$0x0];
	s1 =	srdreg.scid  }
0x2: {  	s2 =	rddreg [dreg:$0x1];
	s3 =	stileid.u32  }
0x3: {  	s4 =	rddreg [dreg:$0x2];
	s26 =	simm.s32 $0x80;
	s1 =	sand.u32 $0x1, s1  }
0x4: {  	s5 =	sshll.u32 s3, $0x9;
	s3 =	simm.s32 $0x0;
	s6 =	sshll.u32 s1, $0x8  }
0x5: {  	s31 =	simm.s32 $0x200;
	[smem:$0x7FF] =	sst s3;
	s5 =	sor.u32 s6, s5  }
0x6: {  	_ =	strace $0x80000047;
	[dreg:$0x14] =	wrdreg s26;
	s6 =	sshrl.u32 s5, $0x1  }
0x7: {  	[dreg:$0x15] =	wrdreg s31;
	s5 =	sshll.u32 s5, $0x7;
	s0 =	sadd.s32 s0, s6  }
0x8: {  	s7 =	sadd.s32 s4, s5;
	[dreg:$0x4] =	wrdreg s0  }
0x9: {  	s10 =	sadd.s32 $0x800, s7;
	[dreg:$0x16] =	wrdreg s7  }
0xa: {  	s11 =	sadd.s32 $0x1000, s7;
	[dreg:$0x5] =	wrdreg s10  }
0xb: {  	s30 =	simm.s32 $0x2;
	s12 =	sadd.s32 $0x1800, s7;
	[dreg:$0x6] =	wrdreg s11  }
0xc: {  	s9 =	simm.s32 $0x8;
	s13 =	sadd.s32 $0x2000, s7;
	[dreg:$0x7] =	wrdreg s12  }
0xd: {  	s28 =	simm.s32 $0x8900;
	s14 =	sadd.s32 $0x2800, s7;
	[dreg:$0x8] =	wrdreg s13  }
0xe: {  	s29 =	simm.s32 $0xB100;
	s15 =	sadd.s32 $0x3000, s7;
	[dreg:$0x9] =	wrdreg s14  }
0xf: {  	s1 =	ssub.s32 $0x2, s1;
	s16 =	sadd.s32 $0x3800, s7;
	[dreg:$0xa] =	wrdreg s15  }
0x10: {  	s21 =	sshrl.u32 s1, $0x1;
	s17 =	sadd.s32 $0x4000, s7;
	[dreg:$0xb] =	wrdreg s16  }
0x11: {  	s26 =	simm.s32 $0xA900;
	s18 =	sadd.s32 $0x4800, s7;
	[dreg:$0xc] =	wrdreg s17  }
0x12: {  	s1 =	ssub.s32 s1, s21;
	s19 =	sadd.s32 $0x5000, s7;
	[dreg:$0xd] =	wrdreg s18  }
0x13: {  	s21 =	simm.s32 $0x1;
	s20 =	sadd.s32 $0x5800, s7;
	[dreg:$0xe] =	wrdreg s19  }
0x14: {  	s5 =	sadd.s32 $0x100, s2;
	s22 =	sadd.s32 $0x6000, s7;
	[dreg:$0xf] =	wrdreg s20  }
0x15: {  	s6 =	sadd.s32 $0x200, s2;
	s23 =	sadd.s32 $0x6800, s7;
	[dreg:$0x10] =	wrdreg s22  }
0x16: {  	s8 =	smax.u32 s1, $0x1;
	s24 =	sadd.s32 $0x7000, s7;
	[dreg:$0x11] =	wrdreg s23  }
0x17: {  	s25 =	sadd.s32 $0x7800, s7;
	s7 =	sadd.s32 $0x300, s2;
	[dreg:$0x12] =	wrdreg s24  }
0x18: {  	v2 =	vlaneseq.u32;
	[dreg:$0x13] =	wrdreg s25;
	s12 =	simm.s32 $0x9;
	s13 =	simm.s32 $0x100  }
0x19: {  	vm0 =	vmmov $0xffff;
	v1 =	vshrl.u32 v2, $0x3;
	s10 =	simm.s32 $0x4100;
	s15 =	simm.s32 $0x8100;
	s19 =	simm.s32 $0xC100  }
0x1a: {  	v0 =	vand.u32 $0x7, v2;
	v2 =	vor.u32 $0x8, v2;
	v1 =	vmul.u32 $0x8, v1;
	s20 =	simm.s32 $0x10100;
	s14 =	simm.s32 $0x14100;
	s11 =	simm.s32 $0x18100  }
.LBB2_1:
0x1b: {  	s22 =	rddreg [dreg:$0x4]  }
0x1c: {  	s23 =	rddreg [dreg:$0x14]  }
0x1d: {  	s24 =	rddreg [dreg:$0x15]  }
0x1e: {  	[tilespmem:s3], [sflag:$0xF] =	stream.strided.gather [hbm4b:s22+s23], $0x100, s24, s23, $0x38;
	[tilespmem:$0x1C100] =	vst v63  }
0x1f: {  	s24 =	simm.s32 $0xF  }
0x20: {  	_ =	swait.ge [sflag:s24], $0x100  }
0x21: {  	[sflag:s24] =	ssyncset.done $0x0  }
0x22: {  	[sflag:s24] =	ssyncadd.s32 $0xFFFFFF00  }
0x23: {  	v3 =	vld [tilespmem:$0x0];
	_ =	sdelay $0x4  }
0x24: {  	v4 =	vshll.u32 v3, $0x3  }
0x25: {  	v3 =	vand.u32 $0x7, v3;
	v4 =	vand.u32 $0xFFFFFFC0, v4  }
0x26: {  	v3 =	vor.u32 v3, v4  }
0x27: {  	v4 =	vperm.xlane v3, v0;
	_ =	sdelay $0x1  }
0x28: {  	v4 =	vadd.s32 v1, v4;
	_ =	sdelay $0x4  }
0x29: {  	[tilespmem:s13], [sflag:$0x1] =	stream.indirect_vreg.gather [hbm4b:s2+s3], $0x80, v4, vm0, $0xb8;
	[tilespmem:$0x1C100] =	vst v63  }
0x2a: {  	s0 =	simm.s32 $0x900;
	v3 =	vperm.xlane v3, v2  }
0x2b: {  	[tilespmem:s0], [sflag:$0x1] =	stream.indirect_vreg.gather [hbm4b:s5+s3], $0x80, v4, vm0, $0xb8;
	[tilespmem:$0x1C100] =	vst v63  }
0x2c: {  	s25 =	simm.s32 $0x1100;
	v3 =	vadd.s32 v1, v3  }
0x2d: {  	[tilespmem:s25], [sflag:$0x1] =	stream.indirect_vreg.gather [hbm4b:s6+s3], $0x80, v4, vm0, $0xb8;
	[tilespmem:$0x1C100] =	vst v63  }
0x2e: {  	s31 =	simm.s32 $0x1900  }
0x2f: {  	[tilespmem:s31], [sflag:$0x1] =	stream.indirect_vreg.gather [hbm4b:s7+s3], $0x80, v4, vm0, $0xb8;
	[tilespmem:$0x1C100] =	vst v63  }
0x30: {  	s4 =	simm.s32 $0x2100  }
0x31: {  	[tilespmem:s4], [sflag:$0x1] =	stream.indirect_vreg.gather [hbm4b:s2+s3], $0x80, v3, vm0, $0xb8;
	[tilespmem:$0x1C100] =	vst v63  }
0x32: {  	s16 =	simm.s32 $0x2900  }
0x33: {  	[tilespmem:s16], [sflag:$0x1] =	stream.indirect_vreg.gather [hbm4b:s5+s3], $0x80, v3, vm0, $0xb8;
	[tilespmem:$0x1C100] =	vst v63  }
0x34: {  	s17 =	simm.s32 $0x3100  }
0x35: {  	[tilespmem:s17], [sflag:$0x1] =	stream.indirect_vreg.gather [hbm4b:s6+s3], $0x80, v3, vm0, $0xb8;
	[tilespmem:$0x1C100] =	vst v63  }
0x36: {  	s18 =	simm.s32 $0x3900  }
0x37: {  	[tilespmem:s18], [sflag:$0x1] =	stream.indirect_vreg.gather [hbm4b:s7+s3], $0x80, v3, vm0, $0xb8;
	[tilespmem:$0x1C100] =	vst v63  }
0x38: {  	v3 =	vld [tilespmem:$0x10];
	_ =	sdelay $0x4  }
0x39: {  	v49 =	vshll.u32 v3, $0x3  }
0x3a: {  	v3 =	vand.u32 $0x7, v3;
	v4 =	vand.u32 $0xFFFFFFC0, v49  }
0x3b: {  	v3 =	vor.u32 v3, v4  }
0x3c: {  	v4 =	vperm.xlane v3, v0;
	_ =	sdelay $0x1  }
0x3d: {  	v4 =	vadd.s32 v1, v4;
	_ =	sdelay $0x4  }
0x3e: {  	[tilespmem:s10], [sflag:$0x2] =	stream.indirect_vreg.gather [hbm4b:s2+s3], $0x80, v4, vm0, $0xb8;
	[tilespmem:$0x1C100] =	vst v63  }
0x3f: {  	s22 =	simm.s32 $0x4900;
	v3 =	vperm.xlane v3, v2  }
0x40: {  	[tilespmem:s22], [sflag:$0x2] =	stream.indirect_vreg.gather [hbm4b:s5+s3], $0x80, v4, vm0, $0xb8;
	[tilespmem:$0x1C100] =	vst v63  }
0x41: {  	s23 =	simm.s32 $0x5100;
	v3 =	vadd.s32 v1, v3  }
0x42: {  	[tilespmem:s23], [sflag:$0x2] =	stream.indirect_vreg.gather [hbm4b:s6+s3], $0x80, v4, vm0, $0xb8;
	[tilespmem:$0x1C100] =	vst v63  }
0x43: {  	s24 =	simm.s32 $0x5900  }
0x44: {  	[tilespmem:s24], [sflag:$0x2] =	stream.indirect_vreg.gather [hbm4b:s7+s3], $0x80, v4, vm0, $0xb8;
	[tilespmem:$0x1C100] =	vst v63  }
0x45: {  	s25 =	simm.s32 $0x6100  }
0x46: {  	[tilespmem:s25], [sflag:$0x2] =	stream.indirect_vreg.gather [hbm4b:s2+s3], $0x80, v3, vm0, $0xb8;
	[tilespmem:$0x1C100] =	vst v63  }
0x47: {  	s16 =	simm.s32 $0x6900  }
0x48: {  	[tilespmem:s16], [sflag:$0x2] =	stream.indirect_vreg.gather [hbm4b:s5+s3], $0x80, v3, vm0, $0xb8;
	[tilespmem:$0x1C100] =	vst v63  }
0x49: {  	s17 =	simm.s32 $0x7100  }
0x4a: {  	[tilespmem:s17], [sflag:$0x2] =	stream.indirect_vreg.gather [hbm4b:s6+s3], $0x80, v3, vm0, $0xb8;
	[tilespmem:$0x1C100] =	vst v63  }
0x4b: {  	s18 =	simm.s32 $0x7900  }
0x4c: {  	[tilespmem:s18], [sflag:$0x2] =	stream.indirect_vreg.gather [hbm4b:s7+s3], $0x80, v3, vm0, $0xb8;
	[tilespmem:$0x1C100] =	vst v63  }
0x4d: {  	v3 =	vld [tilespmem:$0x20];
	_ =	sdelay $0x4  }
0x4e: {  	v50 =	vshll.u32 v3, $0x3  }
0x4f: {  	v3 =	vand.u32 $0x7, v3;
	v4 =	vand.u32 $0xFFFFFFC0, v50  }
0x50: {  	v3 =	vor.u32 v3, v4  }
0x51: {  	v4 =	vperm.xlane v3, v0;
	_ =	sdelay $0x1  }
0x52: {  	v4 =	vadd.s32 v1, v4;
	_ =	sdelay $0x4  }
0x53: {  	[tilespmem:s15], [sflag:$0x3] =	stream.indirect_vreg.gather [hbm4b:s2+s3], $0x80, v4, vm0, $0xb8;
	[tilespmem:$0x1C100] =	vst v63  }
0x54: {  	v3 =	vperm.xlane v3, v2  }
0x55: {  	[tilespmem:s28], [sflag:$0x3] =	stream.indirect_vreg.gather [hbm4b:s5+s3], $0x80, v4, vm0, $0xb8;
	[tilespmem:$0x1C100] =	vst v63  }
0x56: {  	s17 =	simm.s32 $0x9100;
	v3 =	vadd.s32 v1, v3  }
0x57: {  	[tilespmem:s17], [sflag:$0x3] =	stream.indirect_vreg.gather [hbm4b:s6+s3], $0x80, v4, vm0, $0xb8;
	[tilespmem:$0x1C100] =	vst v63  }
0x58: {  	s18 =	simm.s32 $0x9900  }
0x59: {  	[tilespmem:s18], [sflag:$0x3] =	stream.indirect_vreg.gather [hbm4b:s7+s3], $0x80, v4, vm0, $0xb8;
	[tilespmem:$0x1C100] =	vst v63  }
0x5a: {  	s25 =	simm.s32 $0xA100  }
0x5b: {  	[tilespmem:s25], [sflag:$0x3] =	stream.indirect_vreg.gather [hbm4b:s2+s3], $0x80, v3, vm0, $0xb8;
	[tilespmem:$0x1C100] =	vst v63  }
0x5c: {  	_ = 	snop  }
0x5d: {  	[tilespmem:s26], [sflag:$0x3] =	stream.indirect_vreg.gather [hbm4b:s5+s3], $0x80, v3, vm0, $0xb8;
	[tilespmem:$0x1C100] =	vst v63  }
0x5e: {  	_ = 	snop  }
0x5f: {  	[tilespmem:s29], [sflag:$0x3] =	stream.indirect_vreg.gather [hbm4b:s6+s3], $0x80, v3, vm0, $0xb8;
	[tilespmem:$0x1C100] =	vst v63  }
0x60: {  	s16 =	simm.s32 $0xB900  }
0x61: {  	[tilespmem:s16], [sflag:$0x3] =	stream.indirect_vreg.gather [hbm4b:s7+s3], $0x80, v3, vm0, $0xb8;
	[tilespmem:$0x1C100] =	vst v63  }
0x62: {  	v3 =	vld [tilespmem:$0x30];
	_ =	sdelay $0x4  }
0x63: {  	v51 =	vshll.u32 v3, $0x3  }
0x64: {  	v3 =	vand.u32 $0x7, v3;
	v4 =	vand.u32 $0xFFFFFFC0, v51  }
0x65: {  	v3 =	vor.u32 v3, v4  }
0x66: {  	v4 =	vperm.xlane v3, v0;
	_ =	sdelay $0x1  }
0x67: {  	v4 =	vadd.s32 v1, v4;
	_ =	sdelay $0x4  }
0x68: {  	[tilespmem:s19], [sflag:$0x4] =	stream.indirect_vreg.gather [hbm4b:s2+s3], $0x80, v4, vm0, $0xb8;
	[tilespmem:$0x1C100] =	vst v63  }
0x69: {  	s23 =	simm.s32 $0xC900;
	v3 =	vperm.xlane v3, v2  }
0x6a: {  	[tilespmem:s23], [sflag:$0x4] =	stream.indirect_vreg.gather [hbm4b:s5+s3], $0x80, v4, vm0, $0xb8;
	[tilespmem:$0x1C100] =	vst v63  }
0x6b: {  	s24 =	simm.s32 $0xD100;
	v3 =	vadd.s32 v1, v3  }
0x6c: {  	[tilespmem:s24], [sflag:$0x4] =	stream.indirect_vreg.gather [hbm4b:s6+s3], $0x80, v4, vm0, $0xb8;
	[tilespmem:$0x1C100] =	vst v63  }
0x6d: {  	s22 =	simm.s32 $0xD900  }
0x6e: {  	[tilespmem:s22], [sflag:$0x4] =	stream.indirect_vreg.gather [hbm4b:s7+s3], $0x80, v4, vm0, $0xb8;
	[tilespmem:$0x1C100] =	vst v63  }
0x6f: {  	s22 =	simm.s32 $0xE100  }
0x70: {  	[tilespmem:s22], [sflag:$0x4] =	stream.indirect_vreg.gather [hbm4b:s2+s3], $0x80, v3, vm0, $0xb8;
	[tilespmem:$0x1C100] =	vst v63  }
0x71: {  	s22 =	simm.s32 $0xE900  }
0x72: {  	[tilespmem:s22], [sflag:$0x4] =	stream.indirect_vreg.gather [hbm4b:s5+s3], $0x80, v3, vm0, $0xb8;
	[tilespmem:$0x1C100] =	vst v63  }
0x73: {  	s22 =	simm.s32 $0xF100  }
0x74: {  	[tilespmem:s22], [sflag:$0x4] =	stream.indirect_vreg.gather [hbm4b:s6+s3], $0x80, v3, vm0, $0xb8;
	[tilespmem:$0x1C100] =	vst v63  }
0x75: {  	s22 =	simm.s32 $0xF900  }
0x76: {  	[tilespmem:s22], [sflag:$0x4] =	stream.indirect_vreg.gather [hbm4b:s7+s3], $0x80, v3, vm0, $0xb8;
	[tilespmem:$0x1C100] =	vst v63  }
0x77: {  	v3 =	vld [tilespmem:$0x40];
	_ =	sdelay $0x4  }
0x78: {  	v52 =	vshll.u32 v3, $0x3  }
0x79: {  	v3 =	vand.u32 $0x7, v3;
	v4 =	vand.u32 $0xFFFFFFC0, v52  }
0x7a: {  	v3 =	vor.u32 v3, v4  }
0x7b: {  	v4 =	vperm.xlane v3, v0;
	_ =	sdelay $0x1  }
0x7c: {  	v4 =	vadd.s32 v1, v4;
	_ =	sdelay $0x4  }
0x7d: {  	[tilespmem:s20], [sflag:$0x5] =	stream.indirect_vreg.gather [hbm4b:s2+s3], $0x80, v4, vm0, $0xb8;
	[tilespmem:$0x1C100] =	vst v63  }
0x7e: {  	s22 =	simm.s32 $0x10900;
	v3 =	vperm.xlane v3, v2  }
0x7f: {  	[tilespmem:s22], [sflag:$0x5] =	stream.indirect_vreg.gather [hbm4b:s5+s3], $0x80, v4, vm0, $0xb8;
	[tilespmem:$0x1C100] =	vst v63  }
0x80: {  	v3 =	vadd.s32 v1, v3;
	s22 =	simm.s32 $0x11100  }
0x81: {  	[tilespmem:s22], [sflag:$0x5] =	stream.indirect_vreg.gather [hbm4b:s6+s3], $0x80, v4, vm0, $0xb8;
	[tilespmem:$0x1C100] =	vst v63  }
0x82: {  	s22 =	simm.s32 $0x11900  }
0x83: {  	[tilespmem:s22], [sflag:$0x5] =	stream.indirect_vreg.gather [hbm4b:s7+s3], $0x80, v4, vm0, $0xb8;
	[tilespmem:$0x1C100] =	vst v63  }
0x84: {  	s22 =	simm.s32 $0x12100  }
0x85: {  	[tilespmem:s22], [sflag:$0x5] =	stream.indirect_vreg.gather [hbm4b:s2+s3], $0x80, v3, vm0, $0xb8;
	[tilespmem:$0x1C100] =	vst v63  }
0x86: {  	s22 =	simm.s32 $0x12900  }
0x87: {  	[tilespmem:s22], [sflag:$0x5] =	stream.indirect_vreg.gather [hbm4b:s5+s3], $0x80, v3, vm0, $0xb8;
	[tilespmem:$0x1C100] =	vst v63  }
0x88: {  	s22 =	simm.s32 $0x13100  }
0x89: {  	[tilespmem:s22], [sflag:$0x5] =	stream.indirect_vreg.gather [hbm4b:s6+s3], $0x80, v3, vm0, $0xb8;
	[tilespmem:$0x1C100] =	vst v63  }
0x8a: {  	s22 =	simm.s32 $0x13900  }
0x8b: {  	[tilespmem:s22], [sflag:$0x5] =	stream.indirect_vreg.gather [hbm4b:s7+s3], $0x80, v3, vm0, $0xb8;
	[tilespmem:$0x1C100] =	vst v63  }
0x8c: {  	_ =	swait.ge [sflag:s21], $0x4000  }
0x8d: {  	[sflag:s21] =	ssyncset.done $0x0  }
0x8e: {  	s0 =	rddreg [dreg:$0x16];
	[sflag:s21] =	ssyncadd.s32 $0xFFFFC000  }
0x8f: {  	[hbm4b:s0+s3] =	stream.linear.scatter [tilespmem:s13], [sflag:$0x8], $0x4000, $0x38;
	[tilespmem:$0x1C100] =	vst v63  }
0x90: {  	v3 =	vld [tilespmem:$0x50];
	_ =	sdelay $0x4  }
0x91: {  	v53 =	vshll.u32 v3, $0x3  }
0x92: {  	v3 =	vand.u32 $0x7, v3;
	v4 =	vand.u32 $0xFFFFFFC0, v53  }
0x93: {  	v3 =	vor.u32 v3, v4  }
0x94: {  	v4 =	vperm.xlane v3, v0;
	_ =	sdelay $0x1  }
0x95: {  	v4 =	vadd.s32 v1, v4;
	_ =	sdelay $0x4  }
0x96: {  	[tilespmem:s14], [sflag:$0x6] =	stream.indirect_vreg.gather [hbm4b:s2+s3], $0x80, v4, vm0, $0xb8;
	[tilespmem:$0x1C100] =	vst v63  }
0x97: {  	s22 =	simm.s32 $0x14900;
	v3 =	vperm.xlane v3, v2  }
0x98: {  	[tilespmem:s22], [sflag:$0x6] =	stream.indirect_vreg.gather [hbm4b:s5+s3], $0x80, v4, vm0, $0xb8;
	[tilespmem:$0x1C100] =	vst v63  }
0x99: {  	v3 =	vadd.s32 v1, v3;
	s22 =	simm.s32 $0x15100  }
0x9a: {  	[tilespmem:s22], [sflag:$0x6] =	stream.indirect_vreg.gather [hbm4b:s6+s3], $0x80, v4, vm0, $0xb8;
	[tilespmem:$0x1C100] =	vst v63  }
0x9b: {  	s22 =	simm.s32 $0x15900  }
0x9c: {  	[tilespmem:s22], [sflag:$0x6] =	stream.indirect_vreg.gather [hbm4b:s7+s3], $0x80, v4, vm0, $0xb8;
	[tilespmem:$0x1C100] =	vst v63  }
0x9d: {  	s22 =	simm.s32 $0x16100  }
0x9e: {  	[tilespmem:s22], [sflag:$0x6] =	stream.indirect_vreg.gather [hbm4b:s2+s3], $0x80, v3, vm0, $0xb8;
	[tilespmem:$0x1C100] =	vst v63  }
0x9f: {  	s22 =	simm.s32 $0x16900  }
0xa0: {  	[tilespmem:s22], [sflag:$0x6] =	stream.indirect_vreg.gather [hbm4b:s5+s3], $0x80, v3, vm0, $0xb8;
	[tilespmem:$0x1C100] =	vst v63  }
0xa1: {  	s22 =	simm.s32 $0x17100  }
0xa2: {  	[tilespmem:s22], [sflag:$0x6] =	stream.indirect_vreg.gather [hbm4b:s6+s3], $0x80, v3, vm0, $0xb8;
	[tilespmem:$0x1C100] =	vst v63  }
0xa3: {  	s22 =	simm.s32 $0x17900  }
0xa4: {  	[tilespmem:s22], [sflag:$0x6] =	stream.indirect_vreg.gather [hbm4b:s7+s3], $0x80, v3, vm0, $0xb8;
	[tilespmem:$0x1C100] =	vst v63  }
0xa5: {  	_ =	swait.ge [sflag:s30], $0x4000  }
0xa6: {  	[sflag:s30] =	ssyncset.done $0x0  }
0xa7: {  	s0 =	rddreg [dreg:$0x5];
	[sflag:s30] =	ssyncadd.s32 $0xFFFFC000  }
0xa8: {  	[hbm4b:s0+s3] =	stream.linear.scatter [tilespmem:s10], [sflag:$0x9], $0x4000, $0x38;
	[tilespmem:$0x1C100] =	vst v63  }
0xa9: {  	v3 =	vld [tilespmem:$0x60];
	_ =	sdelay $0x4  }
0xaa: {  	v54 =	vshll.u32 v3, $0x3  }
0xab: {  	v3 =	vand.u32 $0x7, v3;
	v4 =	vand.u32 $0xFFFFFFC0, v54  }
0xac: {  	v3 =	vor.u32 v3, v4  }
0xad: {  	v4 =	vperm.xlane v3, v0;
	_ =	sdelay $0x1  }
0xae: {  	v4 =	vadd.s32 v1, v4;
	_ =	sdelay $0x4  }
0xaf: {  	[tilespmem:s11], [sflag:$0x7] =	stream.indirect_vreg.gather [hbm4b:s2+s3], $0x80, v4, vm0, $0xb8;
	[tilespmem:$0x1C100] =	vst v63  }
0xb0: {  	s22 =	simm.s32 $0x18900;
	v3 =	vperm.xlane v3, v2  }
0xb1: {  	[tilespmem:s22], [sflag:$0x7] =	stream.indirect_vreg.gather [hbm4b:s5+s3], $0x80, v4, vm0, $0xb8;
	[tilespmem:$0x1C100] =	vst v63  }
0xb2: {  	v3 =	vadd.s32 v1, v3;
	s22 =	simm.s32 $0x19100  }
0xb3: {  	[tilespmem:s22], [sflag:$0x7] =	stream.indirect_vreg.gather [hbm4b:s6+s3], $0x80, v4, vm0, $0xb8;
	[tilespmem:$0x1C100] =	vst v63  }
0xb4: {  	s22 =	simm.s32 $0x19900  }
0xb5: {  	[tilespmem:s22], [sflag:$0x7] =	stream.indirect_vreg.gather [hbm4b:s7+s3], $0x80, v4, vm0, $0xb8;
	[tilespmem:$0x1C100] =	vst v63  }
0xb6: {  	s22 =	simm.s32 $0x1A100  }
0xb7: {  	[tilespmem:s22], [sflag:$0x7] =	stream.indirect_vreg.gather [hbm4b:s2+s3], $0x80, v3, vm0, $0xb8;
	[tilespmem:$0x1C100] =	vst v63  }
0xb8: {  	s22 =	simm.s32 $0x1A900  }
0xb9: {  	[tilespmem:s22], [sflag:$0x7] =	stream.indirect_vreg.gather [hbm4b:s5+s3], $0x80, v3, vm0, $0xb8;
	[tilespmem:$0x1C100] =	vst v63  }
0xba: {  	s22 =	simm.s32 $0x1B100  }
0xbb: {  	[tilespmem:s22], [sflag:$0x7] =	stream.indirect_vreg.gather [hbm4b:s6+s3], $0x80, v3, vm0, $0xb8;
	[tilespmem:$0x1C100] =	vst v63  }
0xbc: {  	s0 =	simm.s32 $0x3;
	s22 =	simm.s32 $0x1B900  }
0xbd: {  	[tilespmem:s22], [sflag:$0x7] =	stream.indirect_vreg.gather [hbm4b:s7+s3], $0x80, v3, vm0, $0xb8;
	[tilespmem:$0x1C100] =	vst v63  }
0xbe: {  	_ =	swait.ge [sflag:s0], $0x4000  }
0xbf: {  	[sflag:s0] =	ssyncset.done $0x0  }
0xc0: {  	s22 =	rddreg [dreg:$0x6];
	[sflag:s0] =	ssyncadd.s32 $0xFFFFC000  }
0xc1: {  	[hbm4b:s22+s3] =	stream.linear.scatter [tilespmem:s15], [sflag:$0xA], $0x4000, $0x38;
	[tilespmem:$0x1C100] =	vst v63  }
0xc2: {  	_ =	swait.ge [sflag:s9], $0x4000  }
0xc3: {  	[sflag:s9] =	ssyncset.done $0x0  }
0xc4: {  	[sflag:s9] =	ssyncadd.s32 $0xFFFFC000  }
0xc5: {  	v3 =	vld [tilespmem:$0x70];
	_ =	sdelay $0x4  }
0xc6: {  	v55 =	vshll.u32 v3, $0x3  }
0xc7: {  	v3 =	vand.u32 $0x7, v3;
	v4 =	vand.u32 $0xFFFFFFC0, v55  }
0xc8: {  	v3 =	vor.u32 v3, v4  }
0xc9: {  	v4 =	vperm.xlane v3, v0;
	_ =	sdelay $0x1  }
0xca: {  	v4 =	vadd.s32 v1, v4;
	_ =	sdelay $0x4  }
0xcb: {  	[tilespmem:s13], [sflag:$0x1] =	stream.indirect_vreg.gather [hbm4b:s2+s3], $0x80, v4, vm0, $0xb8;
	[tilespmem:$0x1C100] =	vst v63  }
0xcc: {  	s1 =	simm.s32 $0x900;
	v3 =	vperm.xlane v3, v2  }
0xcd: {  	[tilespmem:s1], [sflag:$0x1] =	stream.indirect_vreg.gather [hbm4b:s5+s3], $0x80, v4, vm0, $0xb8;
	[tilespmem:$0x1C100] =	vst v63  }
0xce: {  	s22 =	simm.s32 $0x1100;
	v3 =	vadd.s32 v1, v3  }
0xcf: {  	[tilespmem:s22], [sflag:$0x1] =	stream.indirect_vreg.gather [hbm4b:s6+s3], $0x80, v4, vm0, $0xb8;
	[tilespmem:$0x1C100] =	vst v63  }
0xd0: {  	s22 =	simm.s32 $0x1900  }
0xd1: {  	[tilespmem:s22], [sflag:$0x1] =	stream.indirect_vreg.gather [hbm4b:s7+s3], $0x80, v4, vm0, $0xb8;
	[tilespmem:$0x1C100] =	vst v63  }
0xd2: {  	s31 =	simm.s32 $0x2100  }
0xd3: {  	[tilespmem:s31], [sflag:$0x1] =	stream.indirect_vreg.gather [hbm4b:s2+s3], $0x80, v3, vm0, $0xb8;
	[tilespmem:$0x1C100] =	vst v63  }
0xd4: {  	s22 =	simm.s32 $0x2900  }
0xd5: {  	[tilespmem:s22], [sflag:$0x1] =	stream.indirect_vreg.gather [hbm4b:s5+s3], $0x80, v3, vm0, $0xb8;
	[tilespmem:$0x1C100] =	vst v63  }
0xd6: {  	s31 =	simm.s32 $0x3100  }
0xd7: {  	[tilespmem:s31], [sflag:$0x1] =	stream.indirect_vreg.gather [hbm4b:s6+s3], $0x80, v3, vm0, $0xb8;
	[tilespmem:$0x1C100] =	vst v63  }
0xd8: {  	s4 =	simm.s32 $0x3900;
	s1 =	simm.s32 $0x4  }
0xd9: {  	[tilespmem:s4], [sflag:$0x1] =	stream.indirect_vreg.gather [hbm4b:s7+s3], $0x80, v3, vm0, $0xb8;
	[tilespmem:$0x1C100] =	vst v63  }
0xda: {  	_ =	swait.ge [sflag:s1], $0x4000  }
0xdb: {  	[sflag:s1] =	ssyncset.done $0x0  }
0xdc: {  	s4 =	rddreg [dreg:$0x7];
	[sflag:s1] =	ssyncadd.s32 $0xFFFFC000  }
0xdd: {  	[hbm4b:s4+s3] =	stream.linear.scatter [tilespmem:s19], [sflag:$0xB], $0x4000, $0x38;
	[tilespmem:$0x1C100] =	vst v63  }
0xde: {  	_ =	swait.ge [sflag:s12], $0x4000  }
0xdf: {  	[sflag:s12] =	ssyncset.done $0x0  }
0xe0: {  	[sflag:s12] =	ssyncadd.s32 $0xFFFFC000  }
0xe1: {  	v3 =	vld [tilespmem:$0x80];
	_ =	sdelay $0x4  }
0xe2: {  	v56 =	vshll.u32 v3, $0x3  }
0xe3: {  	v3 =	vand.u32 $0x7, v3;
	v4 =	vand.u32 $0xFFFFFFC0, v56  }
0xe4: {  	v3 =	vor.u32 v3, v4  }
0xe5: {  	v4 =	vperm.xlane v3, v0;
	_ =	sdelay $0x1  }
0xe6: {  	v4 =	vadd.s32 v1, v4;
	_ =	sdelay $0x4  }
0xe7: {  	[tilespmem:s10], [sflag:$0x2] =	stream.indirect_vreg.gather [hbm4b:s2+s3], $0x80, v4, vm0, $0xb8;
	[tilespmem:$0x1C100] =	vst v63  }
0xe8: {  	s22 =	simm.s32 $0x4900;
	v3 =	vperm.xlane v3, v2  }
0xe9: {  	[tilespmem:s22], [sflag:$0x2] =	stream.indirect_vreg.gather [hbm4b:s5+s3], $0x80, v4, vm0, $0xb8;
	[tilespmem:$0x1C100] =	vst v63  }
0xea: {  	s31 =	simm.s32 $0x5100;
	v3 =	vadd.s32 v1, v3  }
0xeb: {  	[tilespmem:s31], [sflag:$0x2] =	stream.indirect_vreg.gather [hbm4b:s6+s3], $0x80, v4, vm0, $0xb8;
	[tilespmem:$0x1C100] =	vst v63  }
0xec: {  	s22 =	simm.s32 $0x5900  }
0xed: {  	[tilespmem:s22], [sflag:$0x2] =	stream.indirect_vreg.gather [hbm4b:s7+s3], $0x80, v4, vm0, $0xb8;
	[tilespmem:$0x1C100] =	vst v63  }
0xee: {  	s31 =	simm.s32 $0x6100  }
0xef: {  	[tilespmem:s31], [sflag:$0x2] =	stream.indirect_vreg.gather [hbm4b:s2+s3], $0x80, v3, vm0, $0xb8;
	[tilespmem:$0x1C100] =	vst v63  }
0xf0: {  	s22 =	simm.s32 $0x6900  }
0xf1: {  	[tilespmem:s22], [sflag:$0x2] =	stream.indirect_vreg.gather [hbm4b:s5+s3], $0x80, v3, vm0, $0xb8;
	[tilespmem:$0x1C100] =	vst v63  }
0xf2: {  	s31 =	simm.s32 $0x7100  }
0xf3: {  	[tilespmem:s31], [sflag:$0x2] =	stream.indirect_vreg.gather [hbm4b:s6+s3], $0x80, v3, vm0, $0xb8;
	[tilespmem:$0x1C100] =	vst v63  }
0xf4: {  	s4 =	simm.s32 $0x5;
	s22 =	simm.s32 $0x7900  }
0xf5: {  	[tilespmem:s22], [sflag:$0x2] =	stream.indirect_vreg.gather [hbm4b:s7+s3], $0x80, v3, vm0, $0xb8;
	[tilespmem:$0x1C100] =	vst v63  }
0xf6: {  	_ =	swait.ge [sflag:s4], $0x4000  }
0xf7: {  	[sflag:s4] =	ssyncset.done $0x0  }
0xf8: {  	s31 =	rddreg [dreg:$0x8];
	[sflag:s4] =	ssyncadd.s32 $0xFFFFC000  }
0xf9: {  	[hbm4b:s31+s3] =	stream.linear.scatter [tilespmem:s20], [sflag:$0xC], $0x4000, $0x38;
	[tilespmem:$0x1C100] =	vst v63  }
0xfa: {  	s31 =	simm.s32 $0xA  }
0xfb: {  	_ =	swait.ge [sflag:s31], $0x4000  }
0xfc: {  	[sflag:s31] =	ssyncset.done $0x0  }
0xfd: {  	[sflag:s31] =	ssyncadd.s32 $0xFFFFC000  }
0xfe: {  	v3 =	vld [tilespmem:$0x90];
	_ =	sdelay $0x4  }
0xff: {  	v57 =	vshll.u32 v3, $0x3  }
0x100: {  	v3 =	vand.u32 $0x7, v3;
	v4 =	vand.u32 $0xFFFFFFC0, v57  }
0x101: {  	v3 =	vor.u32 v3, v4  }
0x102: {  	v4 =	vperm.xlane v3, v0;
	_ =	sdelay $0x1  }
0x103: {  	v4 =	vadd.s32 v1, v4;
	_ =	sdelay $0x4  }
0x104: {  	[tilespmem:s15], [sflag:$0x3] =	stream.indirect_vreg.gather [hbm4b:s2+s3], $0x80, v4, vm0, $0xb8;
	[tilespmem:$0x1C100] =	vst v63  }
0x105: {  	v3 =	vperm.xlane v3, v2  }
0x106: {  	[tilespmem:s28], [sflag:$0x3] =	stream.indirect_vreg.gather [hbm4b:s5+s3], $0x80, v4, vm0, $0xb8;
	[tilespmem:$0x1C100] =	vst v63  }
0x107: {  	v3 =	vadd.s32 v1, v3  }
0x108: {  	[tilespmem:s17], [sflag:$0x3] =	stream.indirect_vreg.gather [hbm4b:s6+s3], $0x80, v4, vm0, $0xb8;
	[tilespmem:$0x1C100] =	vst v63  }
0x109: {  	_ = 	snop  }
0x10a: {  	[tilespmem:s18], [sflag:$0x3] =	stream.indirect_vreg.gather [hbm4b:s7+s3], $0x80, v4, vm0, $0xb8;
	[tilespmem:$0x1C100] =	vst v63  }
0x10b: {  	_ = 	snop  }
0x10c: {  	[tilespmem:s25], [sflag:$0x3] =	stream.indirect_vreg.gather [hbm4b:s2+s3], $0x80, v3, vm0, $0xb8;
	[tilespmem:$0x1C100] =	vst v63  }
0x10d: {  	_ = 	snop  }
0x10e: {  	[tilespmem:s26], [sflag:$0x3] =	stream.indirect_vreg.gather [hbm4b:s5+s3], $0x80, v3, vm0, $0xb8;
	[tilespmem:$0x1C100] =	vst v63  }
0x10f: {  	_ = 	snop  }
0x110: {  	[tilespmem:s29], [sflag:$0x3] =	stream.indirect_vreg.gather [hbm4b:s6+s3], $0x80, v3, vm0, $0xb8;
	[tilespmem:$0x1C100] =	vst v63  }
0x111: {  	_ = 	snop  }
0x112: {  	[tilespmem:s16], [sflag:$0x3] =	stream.indirect_vreg.gather [hbm4b:s7+s3], $0x80, v3, vm0, $0xb8;
	[tilespmem:$0x1C100] =	vst v63  }
0x113: {  	s16 =	simm.s32 $0x6  }
0x114: {  	_ =	swait.ge [sflag:s16], $0x4000  }
0x115: {  	[sflag:s16] =	ssyncset.done $0x0  }
0x116: {  	s17 =	simm.s32 $0xB;
	s18 =	rddreg [dreg:$0x9];
	[sflag:s16] =	ssyncadd.s32 $0xFFFFC000  }
0x117: {  	[hbm4b:s18+s3] =	stream.linear.scatter [tilespmem:s14], [sflag:$0xD], $0x4000, $0x38;
	[tilespmem:$0x1C100] =	vst v63  }
0x118: {  	_ =	swait.ge [sflag:s17], $0x4000  }
0x119: {  	[sflag:s17] =	ssyncset.done $0x0  }
0x11a: {  	[sflag:s17] =	ssyncadd.s32 $0xFFFFC000  }
0x11b: {  	v3 =	vld [tilespmem:$0xA0];
	_ =	sdelay $0x4  }
0x11c: {  	v58 =	vshll.u32 v3, $0x3  }
0x11d: {  	v3 =	vand.u32 $0x7, v3;
	v4 =	vand.u32 $0xFFFFFFC0, v58  }
0x11e: {  	v3 =	vor.u32 v3, v4  }
0x11f: {  	v4 =	vperm.xlane v3, v0;
	_ =	sdelay $0x1  }
0x120: {  	v4 =	vadd.s32 v1, v4;
	_ =	sdelay $0x4  }
0x121: {  	[tilespmem:s19], [sflag:$0x4] =	stream.indirect_vreg.gather [hbm4b:s2+s3], $0x80, v4, vm0, $0xb8;
	[tilespmem:$0x1C100] =	vst v63  }
0x122: {  	v3 =	vperm.xlane v3, v2  }
0x123: {  	[tilespmem:s23], [sflag:$0x4] =	stream.indirect_vreg.gather [hbm4b:s5+s3], $0x80, v4, vm0, $0xb8;
	[tilespmem:$0x1C100] =	vst v63  }
0x124: {  	v3 =	vadd.s32 v1, v3  }
0x125: {  	[tilespmem:s24], [sflag:$0x4] =	stream.indirect_vreg.gather [hbm4b:s6+s3], $0x80, v4, vm0, $0xb8;
	[tilespmem:$0x1C100] =	vst v63  }
0x126: {  	s23 =	simm.s32 $0xD900  }
0x127: {  	[tilespmem:s23], [sflag:$0x4] =	stream.indirect_vreg.gather [hbm4b:s7+s3], $0x80, v4, vm0, $0xb8;
	[tilespmem:$0x1C100] =	vst v63  }
0x128: {  	s24 =	simm.s32 $0xE100  }
0x129: {  	[tilespmem:s24], [sflag:$0x4] =	stream.indirect_vreg.gather [hbm4b:s2+s3], $0x80, v3, vm0, $0xb8;
	[tilespmem:$0x1C100] =	vst v63  }
0x12a: {  	s25 =	simm.s32 $0xE900  }
0x12b: {  	[tilespmem:s25], [sflag:$0x4] =	stream.indirect_vreg.gather [hbm4b:s5+s3], $0x80, v3, vm0, $0xb8;
	[tilespmem:$0x1C100] =	vst v63  }
0x12c: {  	s22 =	simm.s32 $0xF100  }
0x12d: {  	[tilespmem:s22], [sflag:$0x4] =	stream.indirect_vreg.gather [hbm4b:s6+s3], $0x80, v3, vm0, $0xb8;
	[tilespmem:$0x1C100] =	vst v63  }
0x12e: {  	s18 =	simm.s32 $0x7;
	s23 =	simm.s32 $0xF900  }
0x12f: {  	[tilespmem:s23], [sflag:$0x4] =	stream.indirect_vreg.gather [hbm4b:s7+s3], $0x80, v3, vm0, $0xb8;
	[tilespmem:$0x1C100] =	vst v63  }
0x130: {  	_ =	swait.ge [sflag:s18], $0x4000  }
0x131: {  	[sflag:s18] =	ssyncset.done $0x0  }
0x132: {  	s23 =	simm.s32 $0xC;
	s24 =	rddreg [dreg:$0xa];
	[sflag:s18] =	ssyncadd.s32 $0xFFFFC000  }
0x133: {  	[hbm4b:s24+s3] =	stream.linear.scatter [tilespmem:s11], [sflag:$0xE], $0x4000, $0x38;
	[tilespmem:$0x1C100] =	vst v63  }
0x134: {  	_ =	swait.ge [sflag:s23], $0x4000  }
0x135: {  	[sflag:s23] =	ssyncset.done $0x0  }
0x136: {  	[sflag:s23] =	ssyncadd.s32 $0xFFFFC000  }
0x137: {  	v3 =	vld [tilespmem:$0xB0];
	_ =	sdelay $0x4  }
0x138: {  	v59 =	vshll.u32 v3, $0x3  }
0x139: {  	v3 =	vand.u32 $0x7, v3;
	v4 =	vand.u32 $0xFFFFFFC0, v59  }
0x13a: {  	v3 =	vor.u32 v3, v4  }
0x13b: {  	v4 =	vperm.xlane v3, v0;
	_ =	sdelay $0x1  }
0x13c: {  	v4 =	vadd.s32 v1, v4;
	_ =	sdelay $0x4  }
0x13d: {  	[tilespmem:s20], [sflag:$0x5] =	stream.indirect_vreg.gather [hbm4b:s2+s3], $0x80, v4, vm0, $0xb8;
	[tilespmem:$0x1C100] =	vst v63  }
0x13e: {  	s25 =	simm.s32 $0x10900;
	v3 =	vperm.xlane v3, v2  }
0x13f: {  	[tilespmem:s25], [sflag:$0x5] =	stream.indirect_vreg.gather [hbm4b:s5+s3], $0x80, v4, vm0, $0xb8;
	[tilespmem:$0x1C100] =	vst v63  }
0x140: {  	s24 =	simm.s32 $0x11100;
	v3 =	vadd.s32 v1, v3  }
0x141: {  	[tilespmem:s24], [sflag:$0x5] =	stream.indirect_vreg.gather [hbm4b:s6+s3], $0x80, v4, vm0, $0xb8;
	[tilespmem:$0x1C100] =	vst v63  }
0x142: {  	s25 =	simm.s32 $0x11900  }
0x143: {  	[tilespmem:s25], [sflag:$0x5] =	stream.indirect_vreg.gather [hbm4b:s7+s3], $0x80, v4, vm0, $0xb8;
	[tilespmem:$0x1C100] =	vst v63  }
0x144: {  	s24 =	simm.s32 $0x12100  }
0x145: {  	[tilespmem:s24], [sflag:$0x5] =	stream.indirect_vreg.gather [hbm4b:s2+s3], $0x80, v3, vm0, $0xb8;
	[tilespmem:$0x1C100] =	vst v63  }
0x146: {  	s25 =	simm.s32 $0x12900  }
0x147: {  	[tilespmem:s25], [sflag:$0x5] =	stream.indirect_vreg.gather [hbm4b:s5+s3], $0x80, v3, vm0, $0xb8;
	[tilespmem:$0x1C100] =	vst v63  }
0x148: {  	s24 =	simm.s32 $0x13100  }
0x149: {  	[tilespmem:s24], [sflag:$0x5] =	stream.indirect_vreg.gather [hbm4b:s6+s3], $0x80, v3, vm0, $0xb8;
	[tilespmem:$0x1C100] =	vst v63  }
0x14a: {  	s25 =	simm.s32 $0x13900  }
0x14b: {  	[tilespmem:s25], [sflag:$0x5] =	stream.indirect_vreg.gather [hbm4b:s7+s3], $0x80, v3, vm0, $0xb8;
	[tilespmem:$0x1C100] =	vst v63  }
0x14c: {  	_ =	swait.ge [sflag:s21], $0x4000  }
0x14d: {  	[sflag:s21] =	ssyncset.done $0x0  }
0x14e: {  	s24 =	rddreg [dreg:$0xb];
	[sflag:s21] =	ssyncadd.s32 $0xFFFFC000  }
0x14f: {  	[hbm4b:s24+s3] =	stream.linear.scatter [tilespmem:s13], [sflag:$0x8], $0x4000, $0x38;
	[tilespmem:$0x1C100] =	vst v63  }
0x150: {  	s24 =	simm.s32 $0xD  }
0x151: {  	_ =	swait.ge [sflag:s24], $0x4000  }
0x152: {  	[sflag:s24] =	ssyncset.done $0x0  }
0x153: {  	[sflag:s24] =	ssyncadd.s32 $0xFFFFC000  }
0x154: {  	v3 =	vld [tilespmem:$0xC0];
	_ =	sdelay $0x4  }
0x155: {  	v60 =	vshll.u32 v3, $0x3  }
0x156: {  	v3 =	vand.u32 $0x7, v3;
	v4 =	vand.u32 $0xFFFFFFC0, v60  }
0x157: {  	v3 =	vor.u32 v3, v4  }
0x158: {  	v4 =	vperm.xlane v3, v0;
	_ =	sdelay $0x1  }
0x159: {  	v4 =	vadd.s32 v1, v4;
	_ =	sdelay $0x4  }
0x15a: {  	[tilespmem:s14], [sflag:$0x6] =	stream.indirect_vreg.gather [hbm4b:s2+s3], $0x80, v4, vm0, $0xb8;
	[tilespmem:$0x1C100] =	vst v63  }
0x15b: {  	s25 =	simm.s32 $0x14900;
	v3 =	vperm.xlane v3, v2  }
0x15c: {  	[tilespmem:s25], [sflag:$0x6] =	stream.indirect_vreg.gather [hbm4b:s5+s3], $0x80, v4, vm0, $0xb8;
	[tilespmem:$0x1C100] =	vst v63  }
0x15d: {  	v3 =	vadd.s32 v1, v3;
	s25 =	simm.s32 $0x15100  }
0x15e: {  	[tilespmem:s25], [sflag:$0x6] =	stream.indirect_vreg.gather [hbm4b:s6+s3], $0x80, v4, vm0, $0xb8;
	[tilespmem:$0x1C100] =	vst v63  }
0x15f: {  	s25 =	simm.s32 $0x15900  }
0x160: {  	[tilespmem:s25], [sflag:$0x6] =	stream.indirect_vreg.gather [hbm4b:s7+s3], $0x80, v4, vm0, $0xb8;
	[tilespmem:$0x1C100] =	vst v63  }
0x161: {  	s25 =	simm.s32 $0x16100  }
0x162: {  	[tilespmem:s25], [sflag:$0x6] =	stream.indirect_vreg.gather [hbm4b:s2+s3], $0x80, v3, vm0, $0xb8;
	[tilespmem:$0x1C100] =	vst v63  }
0x163: {  	s25 =	simm.s32 $0x16900  }
0x164: {  	[tilespmem:s25], [sflag:$0x6] =	stream.indirect_vreg.gather [hbm4b:s5+s3], $0x80, v3, vm0, $0xb8;
	[tilespmem:$0x1C100] =	vst v63  }
0x165: {  	s25 =	simm.s32 $0x17100  }
0x166: {  	[tilespmem:s25], [sflag:$0x6] =	stream.indirect_vreg.gather [hbm4b:s6+s3], $0x80, v3, vm0, $0xb8;
	[tilespmem:$0x1C100] =	vst v63  }
0x167: {  	s25 =	simm.s32 $0x17900  }
0x168: {  	[tilespmem:s25], [sflag:$0x6] =	stream.indirect_vreg.gather [hbm4b:s7+s3], $0x80, v3, vm0, $0xb8;
	[tilespmem:$0x1C100] =	vst v63  }
0x169: {  	_ =	swait.ge [sflag:s30], $0x4000  }
0x16a: {  	[sflag:s30] =	ssyncset.done $0x0  }
0x16b: {  	s25 =	rddreg [dreg:$0xc];
	[sflag:s30] =	ssyncadd.s32 $0xFFFFC000  }
0x16c: {  	[hbm4b:s25+s3] =	stream.linear.scatter [tilespmem:s10], [sflag:$0x9], $0x4000, $0x38;
	[tilespmem:$0x1C100] =	vst v63  }
0x16d: {  	s25 =	simm.s32 $0xE  }
0x16e: {  	_ =	swait.ge [sflag:s25], $0x4000  }
0x16f: {  	[sflag:s25] =	ssyncset.done $0x0  }
0x170: {  	[sflag:s25] =	ssyncadd.s32 $0xFFFFC000  }
0x171: {  	v3 =	vld [tilespmem:$0xD0];
	_ =	sdelay $0x4  }
0x172: {  	v61 =	vshll.u32 v3, $0x3  }
0x173: {  	v3 =	vand.u32 $0x7, v3;
	v4 =	vand.u32 $0xFFFFFFC0, v61  }
0x174: {  	v3 =	vor.u32 v3, v4  }
0x175: {  	v4 =	vperm.xlane v3, v0;
	_ =	sdelay $0x1  }
0x176: {  	v4 =	vadd.s32 v1, v4;
	_ =	sdelay $0x4  }
0x177: {  	[tilespmem:s11], [sflag:$0x7] =	stream.indirect_vreg.gather [hbm4b:s2+s3], $0x80, v4, vm0, $0xb8;
	[tilespmem:$0x1C100] =	vst v63  }
0x178: {  	s22 =	simm.s32 $0x18900;
	v3 =	vperm.xlane v3, v2  }
0x179: {  	[tilespmem:s22], [sflag:$0x7] =	stream.indirect_vreg.gather [hbm4b:s5+s3], $0x80, v4, vm0, $0xb8;
	[tilespmem:$0x1C100] =	vst v63  }
0x17a: {  	v3 =	vadd.s32 v1, v3;
	s22 =	simm.s32 $0x19100  }
0x17b: {  	[tilespmem:s22], [sflag:$0x7] =	stream.indirect_vreg.gather [hbm4b:s6+s3], $0x80, v4, vm0, $0xb8;
	[tilespmem:$0x1C100] =	vst v63  }
0x17c: {  	s22 =	simm.s32 $0x19900  }
0x17d: {  	[tilespmem:s22], [sflag:$0x7] =	stream.indirect_vreg.gather [hbm4b:s7+s3], $0x80, v4, vm0, $0xb8;
	[tilespmem:$0x1C100] =	vst v63  }
0x17e: {  	s22 =	simm.s32 $0x1A100  }
0x17f: {  	[tilespmem:s22], [sflag:$0x7] =	stream.indirect_vreg.gather [hbm4b:s2+s3], $0x80, v3, vm0, $0xb8;
	[tilespmem:$0x1C100] =	vst v63  }
0x180: {  	s22 =	simm.s32 $0x1A900  }
0x181: {  	[tilespmem:s22], [sflag:$0x7] =	stream.indirect_vreg.gather [hbm4b:s5+s3], $0x80, v3, vm0, $0xb8;
	[tilespmem:$0x1C100] =	vst v63  }
0x182: {  	s22 =	simm.s32 $0x1B100  }
0x183: {  	[tilespmem:s22], [sflag:$0x7] =	stream.indirect_vreg.gather [hbm4b:s6+s3], $0x80, v3, vm0, $0xb8;
	[tilespmem:$0x1C100] =	vst v63  }
0x184: {  	s22 =	simm.s32 $0x1B900  }
0x185: {  	[tilespmem:s22], [sflag:$0x7] =	stream.indirect_vreg.gather [hbm4b:s7+s3], $0x80, v3, vm0, $0xb8;
	[tilespmem:$0x1C100] =	vst v63  }
0x186: {  	_ =	swait.ge [sflag:s0], $0x4000  }
0x187: {  	[sflag:s0] =	ssyncset.done $0x0  }
0x188: {  	s22 =	rddreg [dreg:$0xd];
	[sflag:s0] =	ssyncadd.s32 $0xFFFFC000  }
0x189: {  	[hbm4b:s22+s3] =	stream.linear.scatter [tilespmem:s15], [sflag:$0xA], $0x4000, $0x38;
	[tilespmem:$0x1C100] =	vst v63  }
0x18a: {  	_ =	swait.ge [sflag:s9], $0x4000  }
0x18b: {  	[sflag:s9] =	ssyncset.done $0x0  }
0x18c: {  	[sflag:s9] =	ssyncadd.s32 $0xFFFFC000  }
0x18d: {  	v3 =	vld [tilespmem:$0xE0];
	_ =	sdelay $0x4  }
0x18e: {  	v62 =	vshll.u32 v3, $0x3  }
0x18f: {  	v3 =	vand.u32 $0x7, v3;
	v4 =	vand.u32 $0xFFFFFFC0, v62  }
0x190: {  	v3 =	vor.u32 v3, v4  }
0x191: {  	v4 =	vperm.xlane v3, v0;
	_ =	sdelay $0x1  }
0x192: {  	v4 =	vadd.s32 v1, v4;
	_ =	sdelay $0x4  }
0x193: {  	[tilespmem:s13], [sflag:$0x1] =	stream.indirect_vreg.gather [hbm4b:s2+s3], $0x80, v4, vm0, $0xb8;
	[tilespmem:$0x1C100] =	vst v63  }
0x194: {  	s22 =	simm.s32 $0x900;
	v3 =	vperm.xlane v3, v2  }
0x195: {  	[tilespmem:s22], [sflag:$0x1] =	stream.indirect_vreg.gather [hbm4b:s5+s3], $0x80, v4, vm0, $0xb8;
	[tilespmem:$0x1C100] =	vst v63  }
0x196: {  	v3 =	vadd.s32 v1, v3;
	s22 =	simm.s32 $0x1100  }
0x197: {  	[tilespmem:s22], [sflag:$0x1] =	stream.indirect_vreg.gather [hbm4b:s6+s3], $0x80, v4, vm0, $0xb8;
	[tilespmem:$0x1C100] =	vst v63  }
0x198: {  	s22 =	simm.s32 $0x1900  }
0x199: {  	[tilespmem:s22], [sflag:$0x1] =	stream.indirect_vreg.gather [hbm4b:s7+s3], $0x80, v4, vm0, $0xb8;
	[tilespmem:$0x1C100] =	vst v63  }
0x19a: {  	s22 =	simm.s32 $0x2100  }
0x19b: {  	[tilespmem:s22], [sflag:$0x1] =	stream.indirect_vreg.gather [hbm4b:s2+s3], $0x80, v3, vm0, $0xb8;
	[tilespmem:$0x1C100] =	vst v63  }
0x19c: {  	s22 =	simm.s32 $0x2900  }
0x19d: {  	[tilespmem:s22], [sflag:$0x1] =	stream.indirect_vreg.gather [hbm4b:s5+s3], $0x80, v3, vm0, $0xb8;
	[tilespmem:$0x1C100] =	vst v63  }
0x19e: {  	s22 =	simm.s32 $0x3100  }
0x19f: {  	[tilespmem:s22], [sflag:$0x1] =	stream.indirect_vreg.gather [hbm4b:s6+s3], $0x80, v3, vm0, $0xb8;
	[tilespmem:$0x1C100] =	vst v63  }
0x1a0: {  	s22 =	simm.s32 $0x3900  }
0x1a1: {  	[tilespmem:s22], [sflag:$0x1] =	stream.indirect_vreg.gather [hbm4b:s7+s3], $0x80, v3, vm0, $0xb8;
	[tilespmem:$0x1C100] =	vst v63  }
0x1a2: {  	_ =	swait.ge [sflag:s1], $0x4000  }
0x1a3: {  	[sflag:s1] =	ssyncset.done $0x0  }
0x1a4: {  	s0 =	rddreg [dreg:$0xe];
	[sflag:s1] =	ssyncadd.s32 $0xFFFFC000  }
0x1a5: {  	[hbm4b:s0+s3] =	stream.linear.scatter [tilespmem:s19], [sflag:$0xB], $0x4000, $0x38;
	[tilespmem:$0x1C100] =	vst v63  }
0x1a6: {  	_ =	swait.ge [sflag:s12], $0x4000  }
0x1a7: {  	[sflag:s12] =	ssyncset.done $0x0  }
0x1a8: {  	[sflag:s12] =	ssyncadd.s32 $0xFFFFC000  }
0x1a9: {  	v3 =	vld [tilespmem:$0xF0];
	_ =	sdelay $0x4  }
0x1aa: {  	v63 =	vshll.u32 v3, $0x3  }
0x1ab: {  	v3 =	vand.u32 $0x7, v3;
	v4 =	vand.u32 $0xFFFFFFC0, v63  }
0x1ac: {  	v3 =	vor.u32 v3, v4  }
0x1ad: {  	v4 =	vperm.xlane v3, v0;
	_ =	sdelay $0x1  }
0x1ae: {  	v4 =	vadd.s32 v1, v4;
	_ =	sdelay $0x4  }
0x1af: {  	[tilespmem:s10], [sflag:$0x2] =	stream.indirect_vreg.gather [hbm4b:s2+s3], $0x80, v4, vm0, $0xb8;
	[tilespmem:$0x1C100] =	vst v63  }
0x1b0: {  	s22 =	simm.s32 $0x4900;
	v3 =	vperm.xlane v3, v2  }
0x1b1: {  	[tilespmem:s22], [sflag:$0x2] =	stream.indirect_vreg.gather [hbm4b:s5+s3], $0x80, v4, vm0, $0xb8;
	[tilespmem:$0x1C100] =	vst v63  }
0x1b2: {  	s1 =	simm.s32 $0x5100;
	v3 =	vadd.s32 v1, v3  }
0x1b3: {  	[tilespmem:s1], [sflag:$0x2] =	stream.indirect_vreg.gather [hbm4b:s6+s3], $0x80, v4, vm0, $0xb8;
	[tilespmem:$0x1C100] =	vst v63  }
0x1b4: {  	s22 =	simm.s32 $0x5900  }
0x1b5: {  	[tilespmem:s22], [sflag:$0x2] =	stream.indirect_vreg.gather [hbm4b:s7+s3], $0x80, v4, vm0, $0xb8;
	[tilespmem:$0x1C100] =	vst v63  }
0x1b6: {  	s1 =	simm.s32 $0x6100  }
0x1b7: {  	[tilespmem:s1], [sflag:$0x2] =	stream.indirect_vreg.gather [hbm4b:s2+s3], $0x80, v3, vm0, $0xb8;
	[tilespmem:$0x1C100] =	vst v63  }
0x1b8: {  	s22 =	simm.s32 $0x6900  }
0x1b9: {  	[tilespmem:s22], [sflag:$0x2] =	stream.indirect_vreg.gather [hbm4b:s5+s3], $0x80, v3, vm0, $0xb8;
	[tilespmem:$0x1C100] =	vst v63  }
0x1ba: {  	s1 =	simm.s32 $0x7100  }
0x1bb: {  	[tilespmem:s1], [sflag:$0x2] =	stream.indirect_vreg.gather [hbm4b:s6+s3], $0x80, v3, vm0, $0xb8;
	[tilespmem:$0x1C100] =	vst v63  }
0x1bc: {  	s22 =	simm.s32 $0x7900  }
0x1bd: {  	[tilespmem:s22], [sflag:$0x2] =	stream.indirect_vreg.gather [hbm4b:s7+s3], $0x80, v3, vm0, $0xb8;
	[tilespmem:$0x1C100] =	vst v63  }
0x1be: {  	_ =	swait.ge [sflag:s4], $0x4000  }
0x1bf: {  	[sflag:s4] =	ssyncset.done $0x0  }
0x1c0: {  	s0 =	rddreg [dreg:$0xf];
	[sflag:s4] =	ssyncadd.s32 $0xFFFFC000  }
0x1c1: {  	[hbm4b:s0+s3] =	stream.linear.scatter [tilespmem:s20], [sflag:$0xC], $0x4000, $0x38;
	[tilespmem:$0x1C100] =	vst v63  }
0x1c2: {  	_ =	swait.ge [sflag:s16], $0x4000  }
0x1c3: {  	[sflag:s16] =	ssyncset.done $0x0  }
0x1c4: {  	s1 =	rddreg [dreg:$0x10];
	[sflag:s16] =	ssyncadd.s32 $0xFFFFC000  }
0x1c5: {  	[hbm4b:s1+s3] =	stream.linear.scatter [tilespmem:s14], [sflag:$0xD], $0x4000, $0x38;
	[tilespmem:$0x1C100] =	vst v63  }
0x1c6: {  	_ =	swait.ge [sflag:s18], $0x4000  }
0x1c7: {  	[sflag:s18] =	ssyncset.done $0x0  }
0x1c8: {  	s4 =	rddreg [dreg:$0x11];
	[sflag:s18] =	ssyncadd.s32 $0xFFFFC000  }
0x1c9: {  	[hbm4b:s4+s3] =	stream.linear.scatter [tilespmem:s11], [sflag:$0xE], $0x4000, $0x38;
	[tilespmem:$0x1C100] =	vst v63  }
0x1ca: {  	_ =	swait.ge [sflag:s21], $0x4000  }
0x1cb: {  	[sflag:s21] =	ssyncset.done $0x0  }
0x1cc: {  	s16 =	rddreg [dreg:$0x12];
	[sflag:s21] =	ssyncadd.s32 $0xFFFFC000  }
0x1cd: {  	[hbm4b:s16+s3] =	stream.linear.scatter [tilespmem:s13], [sflag:$0x8], $0x4000, $0x38;
	[tilespmem:$0x1C100] =	vst v63  }
0x1ce: {  	_ =	swait.ge [sflag:s30], $0x4000  }
0x1cf: {  	[sflag:s30] =	ssyncset.done $0x0  }
0x1d0: {  	s18 =	rddreg [dreg:$0x13];
	[sflag:s30] =	ssyncadd.s32 $0xFFFFC000  }
0x1d1: {  	[hbm4b:s18+s3] =	stream.linear.scatter [tilespmem:s10], [sflag:$0x9], $0x4000, $0x38;
	[tilespmem:$0x1C100] =	vst v63  }
0x1d2: {  	_ =	swait.ge [sflag:s31], $0x4000  }
0x1d3: {  	[sflag:s31] =	ssyncset.done $0x0  }
0x1d4: {  	[sflag:s31] =	ssyncadd.s32 $0xFFFFC000  }
0x1d5: {  	_ =	swait.ge [sflag:s17], $0x4000  }
0x1d6: {  	[sflag:s17] =	ssyncset.done $0x0  }
0x1d7: {  	[sflag:s17] =	ssyncadd.s32 $0xFFFFC000  }
0x1d8: {  	_ =	swait.ge [sflag:s23], $0x4000  }
0x1d9: {  	[sflag:s23] =	ssyncset.done $0x0  }
0x1da: {  	[sflag:s23] =	ssyncadd.s32 $0xFFFFC000  }
0x1db: {  	_ =	swait.ge [sflag:s24], $0x4000  }
0x1dc: {  	[sflag:s24] =	ssyncset.done $0x0  }
0x1dd: {  	[sflag:s24] =	ssyncadd.s32 $0xFFFFC000  }
0x1de: {  	_ =	swait.ge [sflag:s25], $0x4000  }
0x1df: {  	[sflag:s25] =	ssyncset.done $0x0  }
0x1e0: {  	[sflag:s25] =	ssyncadd.s32 $0xFFFFC000  }
0x1e1: {  	p0 =	sne.s32 s8, $0x1;
	_ =	swait.ge [sflag:s9], $0x4000  }
.Ltmp0:
0x1e2: {  	[sflag:s9] =	ssyncset.done $0x0;
	(pc) =	sbr.rel @p0 .LBB2_1-.Ltmp0, $4  }
0x1e3: {  	[sflag:s9] =	ssyncadd.s32 $0xFFFFC000  }
0x1e4: {  	_ =	swait.ge [sflag:s12], $0x4000  }
0x1e5: {  	[sflag:s12] =	ssyncset.done $0x0  }
0x1e6: {  	s8 =	sadd.s32 $0xFFFFFFFF, s8;
	[sflag:s12] =	ssyncadd.s32 $0xFFFFC000  }
0x1e7: {  	_ =	sfence.sel $0x180000  }
0x1e8: {  	[bflag:$0x0] =	sbarrier.arrive $0xFFFF  }
0x1e9: {  	_ =	strace $0x90000047  }
0x1ea: {  	s0 =	stileid.u32;
	[bflag:$0x2] =	sbarrier.arrive $0xFFFF  }
0x1eb: {  	p0 =	sne.s32 s0, $0x0;
	s0 =	rddreg [dreg:$0x3]  }
0x1ec: {  	s0 =	sadd.s32 @!p0 $0x100000, s0  }
0x1ed: {  	[sflag:s0] =	ssyncadd.tile.s32 @!p0 $0x1;
	_ =	shalt  }
.Lfunc_end2:
_tile_overlayer_lowered:
.L_overlay_start_2:
0x1ee: {  	(tag) =	ssettag $0x2  }
0x1ef: {  	s0 =	rddreg [dreg:$0x0];
	s2 =	stileid.u32  }
0x1f0: {  	s1 =	rddreg [dreg:$0x1];
	p0 =	sne.s32 s2, $0x0  }
0x1f1: {  	s3 =	rddreg [dreg:$0x2];
	[bflag:$0x3] =	sbarrier.arrive $0xFFFF;
	s2 =	simm.s32 @!p0 $0x1C0F  }
0x1f2: {  	[timem:s3], [sflag:s2] =	dma.local @!p0 [hbm:s0], s1  }
0x1f3: {  	s0 =	simm.s32 @!p0 $0xF  }
0x1f4: {  	_ =	swait.ge @!p0 [sflag:s0], s1  }
0x1f5: {  	s1 =	ssub.s32 @!p0 $0x0, s1;
	[sflag:s0] =	ssyncset.done @!p0 $0x0  }
0x1f6: {  	[sflag:s0] =	ssyncadd.s32 @!p0 s1  }
0x1f7: {  	[bflag:$0x3] =	sbarrier.arrive $0xFFFF  }
0x1f8: {  	_ =	shalt  }

</sc_bundles>
